<compile_context>
chip_gen: v7x
topology: tpu7x:2x2x1
jax: 0.10.2.dev20260603
libtpu: 0.0.44.dev20260713+nightly
codegen_flags: <defaults>
</compile_context>

<pallas_src>
import functools

import numpy as np
import jax
import jax.numpy as jnp
from jax import lax
from jax.experimental import pallas as pl
from jax.experimental.pallas import tpu as pltpu
from jax.experimental.pallas import tpu_sc as plsc

_ALPHA = 0.5
_TAU = 0.1
_K = 256
_N = 4096
_ROWS = 64
_NW = 16
_RPW = _ROWS // _NW
_LANES = 16
_M = 272


def _rotl32(x, d):
    return ((x << np.uint32(d)) | (x >> np.uint32(32 - d))).astype(np.uint32)


def _threefry2x32(k0, k1, x0, x1):
    x0 = x0.astype(np.uint32).copy()
    x1 = x1.astype(np.uint32).copy()
    ks = [np.uint32(k0), np.uint32(k1),
          np.uint32(np.uint32(k0) ^ np.uint32(k1) ^ np.uint32(0x1BD11BDA))]
    rotations = [(13, 15, 26, 6), (17, 29, 16, 24)]
    x0 = (x0 + ks[0]).astype(np.uint32)
    x1 = (x1 + ks[1]).astype(np.uint32)
    for i in range(5):
        for r in rotations[i % 2]:
            x0 = (x0 + x1).astype(np.uint32)
            x1 = _rotl32(x1, r)
            x1 = (x1 ^ x0).astype(np.uint32)
        x0 = (x0 + ks[(i + 1) % 3]).astype(np.uint32)
        x1 = (x1 + ks[(i + 2) % 3] + np.uint32(i + 1)).astype(np.uint32)
    return x0, x1


def _build_sample():
    f0, f1 = _threefry2x32(0, 0, np.zeros(1, np.uint32), np.ones(1, np.uint32))
    k0, k1 = int(f0[0]), int(f1[0])
    i = np.arange(_N, dtype=np.uint64)
    c1 = (i >> np.uint64(32)).astype(np.uint32)
    c2 = (i & np.uint64(0xFFFFFFFF)).astype(np.uint32)
    o0, o1 = _threefry2x32(k0, k1, c1, c2)
    bits = (o0 ^ o1).astype(np.uint32)
    fb = ((bits >> np.uint32(9)) | np.float32(1.0).view(np.uint32)).astype(np.uint32)
    mant = fb.view(np.float32) - np.float32(1.0)
    tiny = np.float32(np.finfo(np.float32).tiny)
    u = np.maximum(tiny, (mant * np.float32(1.0 - float(tiny)) + tiny).astype(np.float32))
    gumbel = -np.log(-np.log(u).astype(np.float32)).astype(np.float32)
    jv = np.arange(_N, dtype=np.float32)
    lp = (np.float32(-(1.0 + _ALPHA - _TAU))
          * np.log((_N - jv + np.float32(1e-8)).astype(np.float32)).astype(np.float32))
    m = lp.max()
    lse = (np.log(np.exp((lp - m).astype(np.float32)).astype(np.float32)
                  .sum(dtype=np.float32)).astype(np.float32) + m).astype(np.float32)
    probs = np.exp((lp - lse).astype(np.float32)).astype(np.float32)
    keys = (-gumbel - np.log(probs).astype(np.float32)).astype(np.float32)
    idx = np.argsort(keys, kind="stable")[:_K].astype(np.int32)
    jf = idx.astype(np.float32)
    true_w = np.power((_N - jf + np.float32(1e-8)).astype(np.float32),
                      np.float32(-(1.0 + _ALPHA))).astype(np.float32)
    samp_p = np.power((_N - jf + np.float32(1e-8)).astype(np.float32),
                      np.float32(-(1.0 + _ALPHA - _TAU))).astype(np.float32)
    w = (true_w / (samp_p + np.float32(1e-8))).astype(np.float32)
    return idx, w


_IDX_NP, _W_NP = _build_sample()

_COLS_NP = np.zeros((_M,), np.int32)
_COEF_NP = np.zeros((_M,), np.float32)
_COLS_NP[0] = _N - 1
_COEF_NP[0] = np.float32(_W_NP.astype(np.float64).sum() / _K)
_COLS_NP[1:_K + 1] = (_N - 1 - _IDX_NP).astype(np.int32)
_COEF_NP[1:_K + 1] = -(_W_NP / _K)

_J = np.arange(_LANES, dtype=np.int32)
_CONST_NP = np.concatenate([
    _COLS_NP,
    _COEF_NP.view(np.int32),
    _LANES * (_J // _RPW) + (_J % _RPW),
])

_NCONST = _CONST_NP.size


@functools.cache
def _sc_gather_dot():
    mesh = plsc.VectorSubcoreMesh(core_axis_name="c", subcore_axis_name="s",
                                  num_cores=1)

    @functools.partial(
        pl.kernel,
        mesh=mesh,
        out_type=jax.ShapeDtypeStruct((_ROWS,), jnp.float32),
        compiler_params=pltpu.CompilerParams(needs_layout_passes=False,
                                             skip_device_barrier=True),
        scratch_types=[
            pltpu.VMEM((_NCONST,), jnp.int32),
            pltpu.VMEM((_RPW * _N,), jnp.float32),
            pltpu.VMEM((_LANES,), jnp.float32),
            pltpu.VMEM_SHARED((_NW * _LANES,), jnp.float32),
            pltpu.VMEM((4 * _LANES,), jnp.float32),
            pltpu.VMEM((_LANES,), jnp.float32),
            pltpu.SemaphoreType.DMA,
            pltpu.SemaphoreType.DMA,
            pltpu.SemaphoreType.DMA,
            pltpu.SemaphoreType.DMA,
            pltpu.SemaphoreType.DMA,
        ],
    )
    def body(xf_hbm, const_hbm, out_hbm,
             const_v, rows_v, res_v, stage_sh, fin_v, out_v,
             sem1, sem2, sem3, sem4, sem5):
        s = lax.axis_index("s")
        base_row = s * _RPW
        h1 = pltpu.async_copy(const_hbm, const_v, sem1)
        hr = []
        for r, sem in enumerate((sem2, sem3, sem4, sem5)):
            hr.append(pltpu.async_copy(
                xf_hbm.at[pl.ds((base_row + r) * _N, _N)],
                rows_v.at[pl.ds(r * _N, _N)], sem))
        h1.wait()
        accs = [jnp.zeros((_LANES,), jnp.float32) for _ in range(_RPW)]
        for r in range(_RPW):
            hr[r].wait()
            for k in range(_M // _LANES):
                idx = const_v[pl.ds(k * _LANES, _LANES)]
                cf = plsc.bitcast(const_v[pl.ds(_M + k * _LANES, _LANES)],
                                  jnp.float32)
                accs[r] = accs[r] + cf * plsc.load_gather(rows_v, [idx + r * _N])
        sums = [jnp.sum(a) for a in accs]
        lanes = lax.broadcasted_iota(jnp.int32, (_LANES,), 0)
        res = jnp.zeros((_LANES,), jnp.float32)
        for l, sv in enumerate(sums):
            res = jnp.where(lanes == l, sv, res)
        res_v[...] = res
        pltpu.sync_copy(res_v, stage_sh.at[pl.ds(s * _LANES, _LANES)])
        plsc.subcore_barrier()

        @pl.when(s % 4 == 0)
        def _finalize():
            t = s // 4
            pltpu.sync_copy(stage_sh.at[pl.ds(t * 4 * _LANES, 4 * _LANES)],
                            fin_v)
            fidx = const_v[pl.ds(2 * _M, _LANES)]
            out_v[...] = plsc.load_gather(fin_v, [fidx])
            pltpu.sync_copy(out_v, out_hbm.at[pl.ds(t * _LANES, _LANES)])

    return body


def kernel(x):
    return _sc_gather_dot()(x.reshape(-1), jnp.asarray(_CONST_NP))

# --- scband reference (transcript-rebuilt; emitter-appended) ---
"""Pipeline reference for scband-stochastic-fractional-layer-12463995093153 (READ-ONLY COPY).

The authoritative reference and input builder live on the scoring server;
editing this copy changes nothing except your own understanding.
"""

import jax, jax.numpy as jnp
import numpy as np

ALPHA = 0.5
TAU = 0.1
K = 256

def setup_inputs(seed: int = 0) -> dict:
    key = jax.random.key(seed)
    x = jax.random.normal(key, (64, 4096), dtype=jnp.float32)
    return {"x": x}

def reference(x):
    # Importance-sampled Grunwald-Letnikov style fractional derivative estimate.
    n = x.shape[-1]
    j_vals = jnp.arange(n, dtype=jnp.float32)
    # Sampling distribution p(j) ~ (n - j)^{-(1+alpha-tau)}
    log_probs = -(1.0 + ALPHA - TAU) * jnp.log(n - j_vals + 1e-8)
    probs = jnp.exp(log_probs - jax.nn.logsumexp(log_probs))
    skey = jax.random.fold_in(jax.random.key(0), 1)
    indices = jax.random.choice(skey, n, shape=(K,), replace=False, p=probs)
    # Importance weights w(j)/p(j)
    jf = indices.astype(jnp.float32)
    true_w = jnp.power(n - jf + 1e-8, -(1.0 + ALPHA))
    samp_p = jnp.power(n - jf + 1e-8, -(1.0 + ALPHA - TAU))
    weights = true_w / (samp_p + 1e-8)
    # Derivative estimate: mean of weighted differences against sampled history
    current_val = x[..., -1]
    sampled_vals = x[..., n - 1 - indices]
    differences = current_val[..., None] - sampled_vals
    weighted_sum = jnp.sum(weights * differences, axis=-1)
    return weighted_sum / K

if __name__ == "__main__":
    import jax
    _d = setup_inputs()
    print(jax.jit(kernel)(*tuple(_d.values())))

</pallas_src>

<mosaic_0001>
#map = affine_map<(d0, d1) -> (0)>
module attributes {stable_mosaic.version = 14 : i64} {
  func.func @body(%arg0: i32, %arg1: i32, %arg2: memref<262144xf32, #tpu.memory_space<hbm>>, %arg3: memref<560xi32, #tpu.memory_space<hbm>>, %arg4: memref<64xf32, #tpu.memory_space<hbm>>, %arg5: memref<560xi32, #tpu.memory_space<vmem>>, %arg6: memref<16384xf32, #tpu.memory_space<vmem>>, %arg7: memref<16xf32, #tpu.memory_space<vmem>>, %arg8: memref<256xf32, #tpu.memory_space<vmem_shared>>, %arg9: memref<64xf32, #tpu.memory_space<vmem>>, %arg10: memref<16xf32, #tpu.memory_space<vmem>>, %arg11: memref<!tpu.dma_semaphore, #tpu.memory_space<semaphore_mem>>, %arg12: memref<!tpu.dma_semaphore, #tpu.memory_space<semaphore_mem>>, %arg13: memref<!tpu.dma_semaphore, #tpu.memory_space<semaphore_mem>>, %arg14: memref<!tpu.dma_semaphore, #tpu.memory_space<semaphore_mem>>, %arg15: memref<!tpu.dma_semaphore, #tpu.memory_space<semaphore_mem>>) attributes {dimension_semantics = [#tpu.dimension_semantics<core_parallel>, #tpu.dimension_semantics<subcore_parallel>], iteration_bounds = array<i64: 1, 16>, scalar_prefetch = 0 : i64, scratch_operands = 11 : i64, tpu.core_type = #tpu.core_type<sc_vector_subcore>, window_params = [{transform_indices = #map}, {transform_indices = #map}, {transform_indices = #map}]} {
    %mul3A = arith.constant 4 : i32
    %mul3A_0 = arith.muli %arg1, %mul3A : i32
    tpu.enqueue_dma source(%arg3 : memref<560xi32, #tpu.memory_space<hbm>>) target(%arg5 : memref<560xi32, #tpu.memory_space<vmem>>) target_semaphore(%arg11 : memref<!tpu.dma_semaphore, #tpu.memory_space<semaphore_mem>>)
    %add3A = arith.constant 0 : i32
    %add3A_1 = arith.addi %mul3A_0, %add3A : i32
    %mul3A_2 = arith.constant 4096 : i32
    %mul3A_3 = arith.muli %add3A_1, %mul3A_2 : i32
    %dma_start3A = arith.constant 0 : i32
    %dma_start3A_4 = tpu.memref_slice %arg6[%dma_start3A] : memref<16384xf32, #tpu.memory_space<vmem>> -> memref<4096xf32, #tpu.memory_space<vmem>>
    %dma_start3A_5 = tpu.memref_slice %arg2[%mul3A_3] : memref<262144xf32, #tpu.memory_space<hbm>> -> memref<4096xf32, #tpu.memory_space<hbm>>
    %dma_start3A_6 = arith.constant 0 : i32
    %dma_start3A_7 = tpu.memref_slice %arg6[%dma_start3A_6] : memref<16384xf32, #tpu.memory_space<vmem>> -> memref<4096xf32, #tpu.memory_space<vmem>>
    %dma_start3A_8 = tpu.memref_slice %arg2[%mul3A_3] : memref<262144xf32, #tpu.memory_space<hbm>> -> memref<4096xf32, #tpu.memory_space<hbm>>
    tpu.enqueue_dma source(%dma_start3A_8 : memref<4096xf32, #tpu.memory_space<hbm>>) target(%dma_start3A_7 : memref<4096xf32, #tpu.memory_space<vmem>>) target_semaphore(%arg12 : memref<!tpu.dma_semaphore, #tpu.memory_space<semaphore_mem>>)
    %add3A_9 = arith.constant 1 : i32
    %add3A_10 = arith.addi %mul3A_0, %add3A_9 : i32
    %mul3A_11 = arith.constant 4096 : i32
    %mul3A_12 = arith.muli %add3A_10, %mul3A_11 : i32
    %dma_start3A_13 = arith.constant 4096 : i32
    %dma_start3A_14 = tpu.memref_slice %arg6[%dma_start3A_13] : memref<16384xf32, #tpu.memory_space<vmem>> -> memref<4096xf32, #tpu.memory_space<vmem>>
    %dma_start3A_15 = tpu.memref_slice %arg2[%mul3A_12] : memref<262144xf32, #tpu.memory_space<hbm>> -> memref<4096xf32, #tpu.memory_space<hbm>>
    %dma_start3A_16 = arith.constant 4096 : i32
    %dma_start3A_17 = tpu.memref_slice %arg6[%dma_start3A_16] : memref<16384xf32, #tpu.memory_space<vmem>> -> memref<4096xf32, #tpu.memory_space<vmem>>
    %dma_start3A_18 = tpu.memref_slice %arg2[%mul3A_12] : memref<262144xf32, #tpu.memory_space<hbm>> -> memref<4096xf32, #tpu.memory_space<hbm>>
    tpu.enqueue_dma source(%dma_start3A_18 : memref<4096xf32, #tpu.memory_space<hbm>>) target(%dma_start3A_17 : memref<4096xf32, #tpu.memory_space<vmem>>) target_semaphore(%arg13 : memref<!tpu.dma_semaphore, #tpu.memory_space<semaphore_mem>>)
    %add3A_19 = arith.constant 2 : i32
    %add3A_20 = arith.addi %mul3A_0, %add3A_19 : i32
    %mul3A_21 = arith.constant 4096 : i32
    %mul3A_22 = arith.muli %add3A_20, %mul3A_21 : i32
    %dma_start3A_23 = arith.constant 8192 : i32
    %dma_start3A_24 = tpu.memref_slice %arg6[%dma_start3A_23] : memref<16384xf32, #tpu.memory_space<vmem>> -> memref<4096xf32, #tpu.memory_space<vmem>>
    %dma_start3A_25 = tpu.memref_slice %arg2[%mul3A_22] : memref<262144xf32, #tpu.memory_space<hbm>> -> memref<4096xf32, #tpu.memory_space<hbm>>
    %dma_start3A_26 = arith.constant 8192 : i32
    %dma_start3A_27 = tpu.memref_slice %arg6[%dma_start3A_26] : memref<16384xf32, #tpu.memory_space<vmem>> -> memref<4096xf32, #tpu.memory_space<vmem>>
    %dma_start3A_28 = tpu.memref_slice %arg2[%mul3A_22] : memref<262144xf32, #tpu.memory_space<hbm>> -> memref<4096xf32, #tpu.memory_space<hbm>>
    tpu.enqueue_dma source(%dma_start3A_28 : memref<4096xf32, #tpu.memory_space<hbm>>) target(%dma_start3A_27 : memref<4096xf32, #tpu.memory_space<vmem>>) target_semaphore(%arg14 : memref<!tpu.dma_semaphore, #tpu.memory_space<semaphore_mem>>)
    %add3A_29 = arith.constant 3 : i32
    %add3A_30 = arith.addi %mul3A_0, %add3A_29 : i32
    %mul3A_31 = arith.constant 4096 : i32
    %mul3A_32 = arith.muli %add3A_30, %mul3A_31 : i32
    %dma_start3A_33 = arith.constant 12288 : i32
    %dma_start3A_34 = tpu.memref_slice %arg6[%dma_start3A_33] : memref<16384xf32, #tpu.memory_space<vmem>> -> memref<4096xf32, #tpu.memory_space<vmem>>
    %dma_start3A_35 = tpu.memref_slice %arg2[%mul3A_32] : memref<262144xf32, #tpu.memory_space<hbm>> -> memref<4096xf32, #tpu.memory_space<hbm>>
    %dma_start3A_36 = arith.constant 12288 : i32
    %dma_start3A_37 = tpu.memref_slice %arg6[%dma_start3A_36] : memref<16384xf32, #tpu.memory_space<vmem>> -> memref<4096xf32, #tpu.memory_space<vmem>>
    %dma_start3A_38 = tpu.memref_slice %arg2[%mul3A_32] : memref<262144xf32, #tpu.memory_space<hbm>> -> memref<4096xf32, #tpu.memory_space<hbm>>
    tpu.enqueue_dma source(%dma_start3A_38 : memref<4096xf32, #tpu.memory_space<hbm>>) target(%dma_start3A_37 : memref<4096xf32, #tpu.memory_space<vmem>>) target_semaphore(%arg15 : memref<!tpu.dma_semaphore, #tpu.memory_space<semaphore_mem>>)
    tpu.wait_dma2 semaphore(%arg11 : memref<!tpu.dma_semaphore, #tpu.memory_space<semaphore_mem>>) src(%arg3 : memref<560xi32, #tpu.memory_space<hbm>>) dst(%arg5 : memref<560xi32, #tpu.memory_space<vmem>>)
    %broadcast_in_dim3A = arith.constant 0.000000e+00 : f32
    %broadcast_in_dim3A_39 = vector.broadcast %broadcast_in_dim3A : f32 to vector<16xf32>
    %broadcast_in_dim3A_40 = arith.constant 0.000000e+00 : f32
    %broadcast_in_dim3A_41 = vector.broadcast %broadcast_in_dim3A_40 : f32 to vector<16xf32>
    %broadcast_in_dim3A_42 = arith.constant 0.000000e+00 : f32
    %broadcast_in_dim3A_43 = vector.broadcast %broadcast_in_dim3A_42 : f32 to vector<16xf32>
    %broadcast_in_dim3A_44 = arith.constant 0.000000e+00 : f32
    %broadcast_in_dim3A_45 = vector.broadcast %broadcast_in_dim3A_44 : f32 to vector<16xf32>
    %dma_wait3A = arith.constant 0 : i32
    %dma_wait3A_46 = tpu.memref_slice %arg6[%dma_wait3A] : memref<16384xf32, #tpu.memory_space<vmem>> -> memref<4096xf32, #tpu.memory_space<vmem>>
    %dma_wait3A_47 = tpu.memref_slice %arg2[%mul3A_3] : memref<262144xf32, #tpu.memory_space<hbm>> -> memref<4096xf32, #tpu.memory_space<hbm>>
    %dma_wait3A_48 = arith.constant 0 : i32
    %dma_wait3A_49 = tpu.memref_slice %arg6[%dma_wait3A_48] : memref<16384xf32, #tpu.memory_space<vmem>> -> memref<4096xf32, #tpu.memory_space<vmem>>
    %dma_wait3A_50 = tpu.memref_slice %arg2[%mul3A_3] : memref<262144xf32, #tpu.memory_space<hbm>> -> memref<4096xf32, #tpu.memory_space<hbm>>
    tpu.wait_dma2 semaphore(%arg12 : memref<!tpu.dma_semaphore, #tpu.memory_space<semaphore_mem>>) src(%dma_wait3A_50 : memref<4096xf32, #tpu.memory_space<hbm>>) dst(%dma_wait3A_49 : memref<4096xf32, #tpu.memory_space<vmem>>)
    %get3A = arith.constant 0 : index
    %get3A_51 = tpu.vector_load %arg5[%get3A] {strides = array<i32>} : memref<560xi32, #tpu.memory_space<vmem>>, vector<16xi32>,
    %get3A_52 = arith.constant 272 : index
    %get3A_53 = tpu.vector_load %arg5[%get3A_52] {strides = array<i32>} : memref<560xi32, #tpu.memory_space<vmem>>, vector<16xi32>,
    %bitcast3A = vector.bitcast %get3A_53 : vector<16xi32> to vector<16xf32>
    %add3A_54 = arith.constant 0 : i32
    %add3A_55 = vector.broadcast %add3A_54 : i32 to vector<16xi32>
    %add3A_56 = arith.addi %get3A_51, %add3A_55 : vector<16xi32>
    %gather3A = tpu.vector_load_idx %arg6[%add3A_56] : memref<16384xf32, #tpu.memory_space<vmem>>[vector<16xi32>], vector<16xf32>,
    %mul3A_57 = arith.mulf %bitcast3A, %gather3A : vector<16xf32>
    %add3A_58 = arith.addf %broadcast_in_dim3A_39, %mul3A_57 : vector<16xf32>
    %get3A_59 = arith.constant 16 : index
    %get3A_60 = tpu.vector_load %arg5[%get3A_59] {strides = array<i32>} : memref<560xi32, #tpu.memory_space<vmem>>, vector<16xi32>,
    %get3A_61 = arith.constant 288 : index
    %get3A_62 = tpu.vector_load %arg5[%get3A_61] {strides = array<i32>} : memref<560xi32, #tpu.memory_space<vmem>>, vector<16xi32>,
    %bitcast3A_63 = vector.bitcast %get3A_62 : vector<16xi32> to vector<16xf32>
    %add3A_64 = arith.constant 0 : i32
    %add3A_65 = vector.broadcast %add3A_64 : i32 to vector<16xi32>
    %add3A_66 = arith.addi %get3A_60, %add3A_65 : vector<16xi32>
    %gather3A_67 = tpu.vector_load_idx %arg6[%add3A_66] : memref<16384xf32, #tpu.memory_space<vmem>>[vector<16xi32>], vector<16xf32>,
    %mul3A_68 = arith.mulf %bitcast3A_63, %gather3A_67 : vector<16xf32>
    %add3A_69 = arith.addf %add3A_58, %mul3A_68 : vector<16xf32>
    %get3A_70 = arith.constant 32 : index
    %get3A_71 = tpu.vector_load %arg5[%get3A_70] {strides = array<i32>} : memref<560xi32, #tpu.memory_space<vmem>>, vector<16xi32>,
    %get3A_72 = arith.constant 304 : index
    %get3A_73 = tpu.vector_load %arg5[%get3A_72] {strides = array<i32>} : memref<560xi32, #tpu.memory_space<vmem>>, vector<16xi32>,
    %bitcast3A_74 = vector.bitcast %get3A_73 : vector<16xi32> to vector<16xf32>
    %add3A_75 = arith.constant 0 : i32
    %add3A_76 = vector.broadcast %add3A_75 : i32 to vector<16xi32>
    %add3A_77 = arith.addi %get3A_71, %add3A_76 : vector<16xi32>
    %gather3A_78 = tpu.vector_load_idx %arg6[%add3A_77] : memref<16384xf32, #tpu.memory_space<vmem>>[vector<16xi32>], vector<16xf32>,
    %mul3A_79 = arith.mulf %bitcast3A_74, %gather3A_78 : vector<16xf32>
    %add3A_80 = arith.addf %add3A_69, %mul3A_79 : vector<16xf32>
    %get3A_81 = arith.constant 48 : index
    %get3A_82 = tpu.vector_load %arg5[%get3A_81] {strides = array<i32>} : memref<560xi32, #tpu.memory_space<vmem>>, vector<16xi32>,
    %get3A_83 = arith.constant 320 : index
    %get3A_84 = tpu.vector_load %arg5[%get3A_83] {strides = array<i32>} : memref<560xi32, #tpu.memory_space<vmem>>, vector<16xi32>,
    %bitcast3A_85 = vector.bitcast %get3A_84 : vector<16xi32> to vector<16xf32>
    %add3A_86 = arith.constant 0 : i32
    %add3A_87 = vector.broadcast %add3A_86 : i32 to vector<16xi32>
    %add3A_88 = arith.addi %get3A_82, %add3A_87 : vector<16xi32>
    %gather3A_89 = tpu.vector_load_idx %arg6[%add3A_88] : memref<16384xf32, #tpu.memory_space<vmem>>[vector<16xi32>], vector<16xf32>,
    %mul3A_90 = arith.mulf %bitcast3A_85, %gather3A_89 : vector<16xf32>
    %add3A_91 = arith.addf %add3A_80, %mul3A_90 : vector<16xf32>
    %get3A_92 = arith.constant 64 : index
    %get3A_93 = tpu.vector_load %arg5[%get3A_92] {strides = array<i32>} : memref<560xi32, #tpu.memory_space<vmem>>, vector<16xi32>,
    %get3A_94 = arith.constant 336 : index
    %get3A_95 = tpu.vector_load %arg5[%get3A_94] {strides = array<i32>} : memref<560xi32, #tpu.memory_space<vmem>>, vector<16xi32>,
    %bitcast3A_96 = vector.bitcast %get3A_95 : vector<16xi32> to vector<16xf32>
    %add3A_97 = arith.constant 0 : i32
    %add3A_98 = vector.broadcast %add3A_97 : i32 to vector<16xi32>
    %add3A_99 = arith.addi %get3A_93, %add3A_98 : vector<16xi32>
    %gather3A_100 = tpu.vector_load_idx %arg6[%add3A_99] : memref<16384xf32, #tpu.memory_space<vmem>>[vector<16xi32>], vector<16xf32>,
    %mul3A_101 = arith.mulf %bitcast3A_96, %gather3A_100 : vector<16xf32>
    %add3A_102 = arith.addf %add3A_91, %mul3A_101 : vector<16xf32>
    %get3A_103 = arith.constant 80 : index
    %get3A_104 = tpu.vector_load %arg5[%get3A_103] {strides = array<i32>} : memref<560xi32, #tpu.memory_space<vmem>>, vector<16xi32>,
    %get3A_105 = arith.constant 352 : index
    %get3A_106 = tpu.vector_load %arg5[%get3A_105] {strides = array<i32>} : memref<560xi32, #tpu.memory_space<vmem>>, vector<16xi32>,
    %bitcast3A_107 = vector.bitcast %get3A_106 : vector<16xi32> to vector<16xf32>
    %add3A_108 = arith.constant 0 : i32
    %add3A_109 = vector.broadcast %add3A_108 : i32 to vector<16xi32>
    %add3A_110 = arith.addi %get3A_104, %add3A_109 : vector<16xi32>
    %gather3A_111 = tpu.vector_load_idx %arg6[%add3A_110] : memref<16384xf32, #tpu.memory_space<vmem>>[vector<16xi32>], vector<16xf32>,
    %mul3A_112 = arith.mulf %bitcast3A_107, %gather3A_111 : vector<16xf32>
    %add3A_113 = arith.addf %add3A_102, %mul3A_112 : vector<16xf32>
    %get3A_114 = arith.constant 96 : index
    %get3A_115 = tpu.vector_load %arg5[%get3A_114] {strides = array<i32>} : memref<560xi32, #tpu.memory_space<vmem>>, vector<16xi32>,
    %get3A_116 = arith.constant 368 : index
    %get3A_117 = tpu.vector_load %arg5[%get3A_116] {strides = array<i32>} : memref<560xi32, #tpu.memory_space<vmem>>, vector<16xi32>,
    %bitcast3A_118 = vector.bitcast %get3A_117 : vector<16xi32> to vector<16xf32>
    %add3A_119 = arith.constant 0 : i32
    %add3A_120 = vector.broadcast %add3A_119 : i32 to vector<16xi32>
    %add3A_121 = arith.addi %get3A_115, %add3A_120 : vector<16xi32>
    %gather3A_122 = tpu.vector_load_idx %arg6[%add3A_121] : memref<16384xf32, #tpu.memory_space<vmem>>[vector<16xi32>], vector<16xf32>,
    %mul3A_123 = arith.mulf %bitcast3A_118, %gather3A_122 : vector<16xf32>
    %add3A_124 = arith.addf %add3A_113, %mul3A_123 : vector<16xf32>
    %get3A_125 = arith.constant 112 : index
    %get3A_126 = tpu.vector_load %arg5[%get3A_125] {strides = array<i32>} : memref<560xi32, #tpu.memory_space<vmem>>, vector<16xi32>,
    %get3A_127 = arith.constant 384 : index
    %get3A_128 = tpu.vector_load %arg5[%get3A_127] {strides = array<i32>} : memref<560xi32, #tpu.memory_space<vmem>>, vector<16xi32>,
    %bitcast3A_129 = vector.bitcast %get3A_128 : vector<16xi32> to vector<16xf32>
    %add3A_130 = arith.constant 0 : i32
    %add3A_131 = vector.broadcast %add3A_130 : i32 to vector<16xi32>
    %add3A_132 = arith.addi %get3A_126, %add3A_131 : vector<16xi32>
    %gather3A_133 = tpu.vector_load_idx %arg6[%add3A_132] : memref<16384xf32, #tpu.memory_space<vmem>>[vector<16xi32>], vector<16xf32>,
    %mul3A_134 = arith.mulf %bitcast3A_129, %gather3A_133 : vector<16xf32>
    %add3A_135 = arith.addf %add3A_124, %mul3A_134 : vector<16xf32>
    %get3A_136 = arith.constant 128 : index
    %get3A_137 = tpu.vector_load %arg5[%get3A_136] {strides = array<i32>} : memref<560xi32, #tpu.memory_space<vmem>>, vector<16xi32>,
    %get3A_138 = arith.constant 400 : index
    %get3A_139 = tpu.vector_load %arg5[%get3A_138] {strides = array<i32>} : memref<560xi32, #tpu.memory_space<vmem>>, vector<16xi32>,
    %bitcast3A_140 = vector.bitcast %get3A_139 : vector<16xi32> to vector<16xf32>
    %add3A_141 = arith.constant 0 : i32
    %add3A_142 = vector.broadcast %add3A_141 : i32 to vector<16xi32>
    %add3A_143 = arith.addi %get3A_137, %add3A_142 : vector<16xi32>
    %gather3A_144 = tpu.vector_load_idx %arg6[%add3A_143] : memref<16384xf32, #tpu.memory_space<vmem>>[vector<16xi32>], vector<16xf32>,
    %mul3A_145 = arith.mulf %bitcast3A_140, %gather3A_144 : vector<16xf32>
    %add3A_146 = arith.addf %add3A_135, %mul3A_145 : vector<16xf32>
    %get3A_147 = arith.constant 144 : index
    %get3A_148 = tpu.vector_load %arg5[%get3A_147] {strides = array<i32>} : memref<560xi32, #tpu.memory_space<vmem>>, vector<16xi32>,
    %get3A_149 = arith.constant 416 : index
    %get3A_150 = tpu.vector_load %arg5[%get3A_149] {strides = array<i32>} : memref<560xi32, #tpu.memory_space<vmem>>, vector<16xi32>,
    %bitcast3A_151 = vector.bitcast %get3A_150 : vector<16xi32> to vector<16xf32>
    %add3A_152 = arith.constant 0 : i32
    %add3A_153 = vector.broadcast %add3A_152 : i32 to vector<16xi32>
    %add3A_154 = arith.addi %get3A_148, %add3A_153 : vector<16xi32>
    %gather3A_155 = tpu.vector_load_idx %arg6[%add3A_154] : memref<16384xf32, #tpu.memory_space<vmem>>[vector<16xi32>], vector<16xf32>,
    %mul3A_156 = arith.mulf %bitcast3A_151, %gather3A_155 : vector<16xf32>
    %add3A_157 = arith.addf %add3A_146, %mul3A_156 : vector<16xf32>
    %get3A_158 = arith.constant 160 : index
    %get3A_159 = tpu.vector_load %arg5[%get3A_158] {strides = array<i32>} : memref<560xi32, #tpu.memory_space<vmem>>, vector<16xi32>,
    %get3A_160 = arith.constant 432 : index
    %get3A_161 = tpu.vector_load %arg5[%get3A_160] {strides = array<i32>} : memref<560xi32, #tpu.memory_space<vmem>>, vector<16xi32>,
    %bitcast3A_162 = vector.bitcast %get3A_161 : vector<16xi32> to vector<16xf32>
    %add3A_163 = arith.constant 0 : i32
    %add3A_164 = vector.broadcast %add3A_163 : i32 to vector<16xi32>
    %add3A_165 = arith.addi %get3A_159, %add3A_164 : vector<16xi32>
    %gather3A_166 = tpu.vector_load_idx %arg6[%add3A_165] : memref<16384xf32, #tpu.memory_space<vmem>>[vector<16xi32>], vector<16xf32>,
    %mul3A_167 = arith.mulf %bitcast3A_162, %gather3A_166 : vector<16xf32>
    %add3A_168 = arith.addf %add3A_157, %mul3A_167 : vector<16xf32>
    %get3A_169 = arith.constant 176 : index
    %get3A_170 = tpu.vector_load %arg5[%get3A_169] {strides = array<i32>} : memref<560xi32, #tpu.memory_space<vmem>>, vector<16xi32>,
    %get3A_171 = arith.constant 448 : index
    %get3A_172 = tpu.vector_load %arg5[%get3A_171] {strides = array<i32>} : memref<560xi32, #tpu.memory_space<vmem>>, vector<16xi32>,
    %bitcast3A_173 = vector.bitcast %get3A_172 : vector<16xi32> to vector<16xf32>
    %add3A_174 = arith.constant 0 : i32
    %add3A_175 = vector.broadcast %add3A_174 : i32 to vector<16xi32>
    %add3A_176 = arith.addi %get3A_170, %add3A_175 : vector<16xi32>
    %gather3A_177 = tpu.vector_load_idx %arg6[%add3A_176] : memref<16384xf32, #tpu.memory_space<vmem>>[vector<16xi32>], vector<16xf32>,
    %mul3A_178 = arith.mulf %bitcast3A_173, %gather3A_177 : vector<16xf32>
    %add3A_179 = arith.addf %add3A_168, %mul3A_178 : vector<16xf32>
    %get3A_180 = arith.constant 192 : index
    %get3A_181 = tpu.vector_load %arg5[%get3A_180] {strides = array<i32>} : memref<560xi32, #tpu.memory_space<vmem>>, vector<16xi32>,
    %get3A_182 = arith.constant 464 : index
    %get3A_183 = tpu.vector_load %arg5[%get3A_182] {strides = array<i32>} : memref<560xi32, #tpu.memory_space<vmem>>, vector<16xi32>,
    %bitcast3A_184 = vector.bitcast %get3A_183 : vector<16xi32> to vector<16xf32>
    %add3A_185 = arith.constant 0 : i32
    %add3A_186 = vector.broadcast %add3A_185 : i32 to vector<16xi32>
    %add3A_187 = arith.addi %get3A_181, %add3A_186 : vector<16xi32>
    %gather3A_188 = tpu.vector_load_idx %arg6[%add3A_187] : memref<16384xf32, #tpu.memory_space<vmem>>[vector<16xi32>], vector<16xf32>,
    %mul3A_189 = arith.mulf %bitcast3A_184, %gather3A_188 : vector<16xf32>
    %add3A_190 = arith.addf %add3A_179, %mul3A_189 : vector<16xf32>
    %get3A_191 = arith.constant 208 : index
    %get3A_192 = tpu.vector_load %arg5[%get3A_191] {strides = array<i32>} : memref<560xi32, #tpu.memory_space<vmem>>, vector<16xi32>,
    %get3A_193 = arith.constant 480 : index
    %get3A_194 = tpu.vector_load %arg5[%get3A_193] {strides = array<i32>} : memref<560xi32, #tpu.memory_space<vmem>>, vector<16xi32>,
    %bitcast3A_195 = vector.bitcast %get3A_194 : vector<16xi32> to vector<16xf32>
    %add3A_196 = arith.constant 0 : i32
    %add3A_197 = vector.broadcast %add3A_196 : i32 to vector<16xi32>
    %add3A_198 = arith.addi %get3A_192, %add3A_197 : vector<16xi32>
    %gather3A_199 = tpu.vector_load_idx %arg6[%add3A_198] : memref<16384xf32, #tpu.memory_space<vmem>>[vector<16xi32>], vector<16xf32>,
    %mul3A_200 = arith.mulf %bitcast3A_195, %gather3A_199 : vector<16xf32>
    %add3A_201 = arith.addf %add3A_190, %mul3A_200 : vector<16xf32>
    %get3A_202 = arith.constant 224 : index
    %get3A_203 = tpu.vector_load %arg5[%get3A_202] {strides = array<i32>} : memref<560xi32, #tpu.memory_space<vmem>>, vector<16xi32>,
    %get3A_204 = arith.constant 496 : index
    %get3A_205 = tpu.vector_load %arg5[%get3A_204] {strides = array<i32>} : memref<560xi32, #tpu.memory_space<vmem>>, vector<16xi32>,
    %bitcast3A_206 = vector.bitcast %get3A_205 : vector<16xi32> to vector<16xf32>
    %add3A_207 = arith.constant 0 : i32
    %add3A_208 = vector.broadcast %add3A_207 : i32 to vector<16xi32>
    %add3A_209 = arith.addi %get3A_203, %add3A_208 : vector<16xi32>
    %gather3A_210 = tpu.vector_load_idx %arg6[%add3A_209] : memref<16384xf32, #tpu.memory_space<vmem>>[vector<16xi32>], vector<16xf32>,
    %mul3A_211 = arith.mulf %bitcast3A_206, %gather3A_210 : vector<16xf32>
    %add3A_212 = arith.addf %add3A_201, %mul3A_211 : vector<16xf32>
    %get3A_213 = arith.constant 240 : index
    %get3A_214 = tpu.vector_load %arg5[%get3A_213] {strides = array<i32>} : memref<560xi32, #tpu.memory_space<vmem>>, vector<16xi32>,
    %get3A_215 = arith.constant 512 : index
    %get3A_216 = tpu.vector_load %arg5[%get3A_215] {strides = array<i32>} : memref<560xi32, #tpu.memory_space<vmem>>, vector<16xi32>,
    %bitcast3A_217 = vector.bitcast %get3A_216 : vector<16xi32> to vector<16xf32>
    %add3A_218 = arith.constant 0 : i32
    %add3A_219 = vector.broadcast %add3A_218 : i32 to vector<16xi32>
    %add3A_220 = arith.addi %get3A_214, %add3A_219 : vector<16xi32>
    %gather3A_221 = tpu.vector_load_idx %arg6[%add3A_220] : memref<16384xf32, #tpu.memory_space<vmem>>[vector<16xi32>], vector<16xf32>,
    %mul3A_222 = arith.mulf %bitcast3A_217, %gather3A_221 : vector<16xf32>
    %add3A_223 = arith.addf %add3A_212, %mul3A_222 : vector<16xf32>
    %get3A_224 = arith.constant 256 : index
    %get3A_225 = tpu.vector_load %arg5[%get3A_224] {strides = array<i32>} : memref<560xi32, #tpu.memory_space<vmem>>, vector<16xi32>,
    %get3A_226 = arith.constant 528 : index
    %get3A_227 = tpu.vector_load %arg5[%get3A_226] {strides = array<i32>} : memref<560xi32, #tpu.memory_space<vmem>>, vector<16xi32>,
    %bitcast3A_228 = vector.bitcast %get3A_227 : vector<16xi32> to vector<16xf32>
    %add3A_229 = arith.constant 0 : i32
    %add3A_230 = vector.broadcast %add3A_229 : i32 to vector<16xi32>
    %add3A_231 = arith.addi %get3A_225, %add3A_230 : vector<16xi32>
    %gather3A_232 = tpu.vector_load_idx %arg6[%add3A_231] : memref<16384xf32, #tpu.memory_space<vmem>>[vector<16xi32>], vector<16xf32>,
    %mul3A_233 = arith.mulf %bitcast3A_228, %gather3A_232 : vector<16xf32>
    %add3A_234 = arith.addf %add3A_223, %mul3A_233 : vector<16xf32>
    %dma_wait3A_235 = arith.constant 4096 : i32
    %dma_wait3A_236 = tpu.memref_slice %arg6[%dma_wait3A_235] : memref<16384xf32, #tpu.memory_space<vmem>> -> memref<4096xf32, #tpu.memory_space<vmem>>
    %dma_wait3A_237 = tpu.memref_slice %arg2[%mul3A_12] : memref<262144xf32, #tpu.memory_space<hbm>> -> memref<4096xf32, #tpu.memory_space<hbm>>
    %dma_wait3A_238 = arith.constant 4096 : i32
    %dma_wait3A_239 = tpu.memref_slice %arg6[%dma_wait3A_238] : memref<16384xf32, #tpu.memory_space<vmem>> -> memref<4096xf32, #tpu.memory_space<vmem>>
    %dma_wait3A_240 = tpu.memref_slice %arg2[%mul3A_12] : memref<262144xf32, #tpu.memory_space<hbm>> -> memref<4096xf32, #tpu.memory_space<hbm>>
    tpu.wait_dma2 semaphore(%arg13 : memref<!tpu.dma_semaphore, #tpu.memory_space<semaphore_mem>>) src(%dma_wait3A_240 : memref<4096xf32, #tpu.memory_space<hbm>>) dst(%dma_wait3A_239 : memref<4096xf32, #tpu.memory_space<vmem>>)
    %get3A_241 = arith.constant 0 : index
    %get3A_242 = tpu.vector_load %arg5[%get3A_241] {strides = array<i32>} : memref<560xi32, #tpu.memory_space<vmem>>, vector<16xi32>,
    %get3A_243 = arith.constant 272 : index
    %get3A_244 = tpu.vector_load %arg5[%get3A_243] {strides = array<i32>} : memref<560xi32, #tpu.memory_space<vmem>>, vector<16xi32>,
    %bitcast3A_245 = vector.bitcast %get3A_244 : vector<16xi32> to vector<16xf32>
    %add3A_246 = arith.constant 4096 : i32
    %add3A_247 = vector.broadcast %add3A_246 : i32 to vector<16xi32>
    %add3A_248 = arith.addi %get3A_242, %add3A_247 : vector<16xi32>
    %gather3A_249 = tpu.vector_load_idx %arg6[%add3A_248] : memref<16384xf32, #tpu.memory_space<vmem>>[vector<16xi32>], vector<16xf32>,
    %mul3A_250 = arith.mulf %bitcast3A_245, %gather3A_249 : vector<16xf32>
    %add3A_251 = arith.addf %broadcast_in_dim3A_41, %mul3A_250 : vector<16xf32>
    %get3A_252 = arith.constant 16 : index
    %get3A_253 = tpu.vector_load %arg5[%get3A_252] {strides = array<i32>} : memref<560xi32, #tpu.memory_space<vmem>>, vector<16xi32>,
    %get3A_254 = arith.constant 288 : index
    %get3A_255 = tpu.vector_load %arg5[%get3A_254] {strides = array<i32>} : memref<560xi32, #tpu.memory_space<vmem>>, vector<16xi32>,
    %bitcast3A_256 = vector.bitcast %get3A_255 : vector<16xi32> to vector<16xf32>
    %add3A_257 = arith.constant 4096 : i32
    %add3A_258 = vector.broadcast %add3A_257 : i32 to vector<16xi32>
    %add3A_259 = arith.addi %get3A_253, %add3A_258 : vector<16xi32>
    %gather3A_260 = tpu.vector_load_idx %arg6[%add3A_259] : memref<16384xf32, #tpu.memory_space<vmem>>[vector<16xi32>], vector<16xf32>,
    %mul3A_261 = arith.mulf %bitcast3A_256, %gather3A_260 : vector<16xf32>
    %add3A_262 = arith.addf %add3A_251, %mul3A_261 : vector<16xf32>
    %get3A_263 = arith.constant 32 : index
    %get3A_264 = tpu.vector_load %arg5[%get3A_263] {strides = array<i32>} : memref<560xi32, #tpu.memory_space<vmem>>, vector<16xi32>,
    %get3A_265 = arith.constant 304 : index
    %get3A_266 = tpu.vector_load %arg5[%get3A_265] {strides = array<i32>} : memref<560xi32, #tpu.memory_space<vmem>>, vector<16xi32>,
    %bitcast3A_267 = vector.bitcast %get3A_266 : vector<16xi32> to vector<16xf32>
    %add3A_268 = arith.constant 4096 : i32
    %add3A_269 = vector.broadcast %add3A_268 : i32 to vector<16xi32>
    %add3A_270 = arith.addi %get3A_264, %add3A_269 : vector<16xi32>
    %gather3A_271 = tpu.vector_load_idx %arg6[%add3A_270] : memref<16384xf32, #tpu.memory_space<vmem>>[vector<16xi32>], vector<16xf32>,
    %mul3A_272 = arith.mulf %bitcast3A_267, %gather3A_271 : vector<16xf32>
    %add3A_273 = arith.addf %add3A_262, %mul3A_272 : vector<16xf32>
    %get3A_274 = arith.constant 48 : index
    %get3A_275 = tpu.vector_load %arg5[%get3A_274] {strides = array<i32>} : memref<560xi32, #tpu.memory_space<vmem>>, vector<16xi32>,
    %get3A_276 = arith.constant 320 : index
    %get3A_277 = tpu.vector_load %arg5[%get3A_276] {strides = array<i32>} : memref<560xi32, #tpu.memory_space<vmem>>, vector<16xi32>,
    %bitcast3A_278 = vector.bitcast %get3A_277 : vector<16xi32> to vector<16xf32>
    %add3A_279 = arith.constant 4096 : i32
    %add3A_280 = vector.broadcast %add3A_279 : i32 to vector<16xi32>
    %add3A_281 = arith.addi %get3A_275, %add3A_280 : vector<16xi32>
    %gather3A_282 = tpu.vector_load_idx %arg6[%add3A_281] : memref<16384xf32, #tpu.memory_space<vmem>>[vector<16xi32>], vector<16xf32>,
    %mul3A_283 = arith.mulf %bitcast3A_278, %gather3A_282 : vector<16xf32>
    %add3A_284 = arith.addf %add3A_273, %mul3A_283 : vector<16xf32>
    %get3A_285 = arith.constant 64 : index
    %get3A_286 = tpu.vector_load %arg5[%get3A_285] {strides = array<i32>} : memref<560xi32, #tpu.memory_space<vmem>>, vector<16xi32>,
    %get3A_287 = arith.constant 336 : index
    %get3A_288 = tpu.vector_load %arg5[%get3A_287] {strides = array<i32>} : memref<560xi32, #tpu.memory_space<vmem>>, vector<16xi32>,
    %bitcast3A_289 = vector.bitcast %get3A_288 : vector<16xi32> to vector<16xf32>
    %add3A_290 = arith.constant 4096 : i32
    %add3A_291 = vector.broadcast %add3A_290 : i32 to vector<16xi32>
    %add3A_292 = arith.addi %get3A_286, %add3A_291 : vector<16xi32>
    %gather3A_293 = tpu.vector_load_idx %arg6[%add3A_292] : memref<16384xf32, #tpu.memory_space<vmem>>[vector<16xi32>], vector<16xf32>,
    %mul3A_294 = arith.mulf %bitcast3A_289, %gather3A_293 : vector<16xf32>
    %add3A_295 = arith.addf %add3A_284, %mul3A_294 : vector<16xf32>
    %get3A_296 = arith.constant 80 : index
    %get3A_297 = tpu.vector_load %arg5[%get3A_296] {strides = array<i32>} : memref<560xi32, #tpu.memory_space<vmem>>, vector<16xi32>,
    %get3A_298 = arith.constant 352 : index
    %get3A_299 = tpu.vector_load %arg5[%get3A_298] {strides = array<i32>} : memref<560xi32, #tpu.memory_space<vmem>>, vector<16xi32>,
    %bitcast3A_300 = vector.bitcast %get3A_299 : vector<16xi32> to vector<16xf32>
    %add3A_301 = arith.constant 4096 : i32
    %add3A_302 = vector.broadcast %add3A_301 : i32 to vector<16xi32>
    %add3A_303 = arith.addi %get3A_297, %add3A_302 : vector<16xi32>
    %gather3A_304 = tpu.vector_load_idx %arg6[%add3A_303] : memref<16384xf32, #tpu.memory_space<vmem>>[vector<16xi32>], vector<16xf32>,
    %mul3A_305 = arith.mulf %bitcast3A_300, %gather3A_304 : vector<16xf32>
    %add3A_306 = arith.addf %add3A_295, %mul3A_305 : vector<16xf32>
    %get3A_307 = arith.constant 96 : index
    %get3A_308 = tpu.vector_load %arg5[%get3A_307] {strides = array<i32>} : memref<560xi32, #tpu.memory_space<vmem>>, vector<16xi32>,
    %get3A_309 = arith.constant 368 : index
    %get3A_310 = tpu.vector_load %arg5[%get3A_309] {strides = array<i32>} : memref<560xi32, #tpu.memory_space<vmem>>, vector<16xi32>,
    %bitcast3A_311 = vector.bitcast %get3A_310 : vector<16xi32> to vector<16xf32>
    %add3A_312 = arith.constant 4096 : i32
    %add3A_313 = vector.broadcast %add3A_312 : i32 to vector<16xi32>
    %add3A_314 = arith.addi %get3A_308, %add3A_313 : vector<16xi32>
    %gather3A_315 = tpu.vector_load_idx %arg6[%add3A_314] : memref<16384xf32, #tpu.memory_space<vmem>>[vector<16xi32>], vector<16xf32>,
    %mul3A_316 = arith.mulf %bitcast3A_311, %gather3A_315 : vector<16xf32>
    %add3A_317 = arith.addf %add3A_306, %mul3A_316 : vector<16xf32>
    %get3A_318 = arith.constant 112 : index
    %get3A_319 = tpu.vector_load %arg5[%get3A_318] {strides = array<i32>} : memref<560xi32, #tpu.memory_space<vmem>>, vector<16xi32>,
    %get3A_320 = arith.constant 384 : index
    %get3A_321 = tpu.vector_load %arg5[%get3A_320] {strides = array<i32>} : memref<560xi32, #tpu.memory_space<vmem>>, vector<16xi32>,
    %bitcast3A_322 = vector.bitcast %get3A_321 : vector<16xi32> to vector<16xf32>
    %add3A_323 = arith.constant 4096 : i32
    %add3A_324 = vector.broadcast %add3A_323 : i32 to vector<16xi32>
    %add3A_325 = arith.addi %get3A_319, %add3A_324 : vector<16xi32>
    %gather3A_326 = tpu.vector_load_idx %arg6[%add3A_325] : memref<16384xf32, #tpu.memory_space<vmem>>[vector<16xi32>], vector<16xf32>,
    %mul3A_327 = arith.mulf %bitcast3A_322, %gather3A_326 : vector<16xf32>
    %add3A_328 = arith.addf %add3A_317, %mul3A_327 : vector<16xf32>
    %get3A_329 = arith.constant 128 : index
    %get3A_330 = tpu.vector_load %arg5[%get3A_329] {strides = array<i32>} : memref<560xi32, #tpu.memory_space<vmem>>, vector<16xi32>,
    %get3A_331 = arith.constant 400 : index
    %get3A_332 = tpu.vector_load %arg5[%get3A_331] {strides = array<i32>} : memref<560xi32, #tpu.memory_space<vmem>>, vector<16xi32>,
    %bitcast3A_333 = vector.bitcast %get3A_332 : vector<16xi32> to vector<16xf32>
    %add3A_334 = arith.constant 4096 : i32
    %add3A_335 = vector.broadcast %add3A_334 : i32 to vector<16xi32>
    %add3A_336 = arith.addi %get3A_330, %add3A_335 : vector<16xi32>
    %gather3A_337 = tpu.vector_load_idx %arg6[%add3A_336] : memref<16384xf32, #tpu.memory_space<vmem>>[vector<16xi32>], vector<16xf32>,
    %mul3A_338 = arith.mulf %bitcast3A_333, %gather3A_337 : vector<16xf32>
    %add3A_339 = arith.addf %add3A_328, %mul3A_338 : vector<16xf32>
    %get3A_340 = arith.constant 144 : index
    %get3A_341 = tpu.vector_load %arg5[%get3A_340] {strides = array<i32>} : memref<560xi32, #tpu.memory_space<vmem>>, vector<16xi32>,
    %get3A_342 = arith.constant 416 : index
    %get3A_343 = tpu.vector_load %arg5[%get3A_342] {strides = array<i32>} : memref<560xi32, #tpu.memory_space<vmem>>, vector<16xi32>,
    %bitcast3A_344 = vector.bitcast %get3A_343 : vector<16xi32> to vector<16xf32>
    %add3A_345 = arith.constant 4096 : i32
    %add3A_346 = vector.broadcast %add3A_345 : i32 to vector<16xi32>
    %add3A_347 = arith.addi %get3A_341, %add3A_346 : vector<16xi32>
    %gather3A_348 = tpu.vector_load_idx %arg6[%add3A_347] : memref<16384xf32, #tpu.memory_space<vmem>>[vector<16xi32>], vector<16xf32>,
    %mul3A_349 = arith.mulf %bitcast3A_344, %gather3A_348 : vector<16xf32>
    %add3A_350 = arith.addf %add3A_339, %mul3A_349 : vector<16xf32>
    %get3A_351 = arith.constant 160 : index
    %get3A_352 = tpu.vector_load %arg5[%get3A_351] {strides = array<i32>} : memref<560xi32, #tpu.memory_space<vmem>>, vector<16xi32>,
    %get3A_353 = arith.constant 432 : index
    %get3A_354 = tpu.vector_load %arg5[%get3A_353] {strides = array<i32>} : memref<560xi32, #tpu.memory_space<vmem>>, vector<16xi32>,
    %bitcast3A_355 = vector.bitcast %get3A_354 : vector<16xi32> to vector<16xf32>
    %add3A_356 = arith.constant 4096 : i32
    %add3A_357 = vector.broadcast %add3A_356 : i32 to vector<16xi32>
    %add3A_358 = arith.addi %get3A_352, %add3A_357 : vector<16xi32>
    %gather3A_359 = tpu.vector_load_idx %arg6[%add3A_358] : memref<16384xf32, #tpu.memory_space<vmem>>[vector<16xi32>], vector<16xf32>,
    %mul3A_360 = arith.mulf %bitcast3A_355, %gather3A_359 : vector<16xf32>
    %add3A_361 = arith.addf %add3A_350, %mul3A_360 : vector<16xf32>
    %get3A_362 = arith.constant 176 : index
    %get3A_363 = tpu.vector_load %arg5[%get3A_362] {strides = array<i32>} : memref<560xi32, #tpu.memory_space<vmem>>, vector<16xi32>,
    %get3A_364 = arith.constant 448 : index
    %get3A_365 = tpu.vector_load %arg5[%get3A_364] {strides = array<i32>} : memref<560xi32, #tpu.memory_space<vmem>>, vector<16xi32>,
    %bitcast3A_366 = vector.bitcast %get3A_365 : vector<16xi32> to vector<16xf32>
    %add3A_367 = arith.constant 4096 : i32
    %add3A_368 = vector.broadcast %add3A_367 : i32 to vector<16xi32>
    %add3A_369 = arith.addi %get3A_363, %add3A_368 : vector<16xi32>
    %gather3A_370 = tpu.vector_load_idx %arg6[%add3A_369] : memref<16384xf32, #tpu.memory_space<vmem>>[vector<16xi32>], vector<16xf32>,
    %mul3A_371 = arith.mulf %bitcast3A_366, %gather3A_370 : vector<16xf32>
    %add3A_372 = arith.addf %add3A_361, %mul3A_371 : vector<16xf32>
    %get3A_373 = arith.constant 192 : index
    %get3A_374 = tpu.vector_load %arg5[%get3A_373] {strides = array<i32>} : memref<560xi32, #tpu.memory_space<vmem>>, vector<16xi32>,
    %get3A_375 = arith.constant 464 : index
    %get3A_376 = tpu.vector_load %arg5[%get3A_375] {strides = array<i32>} : memref<560xi32, #tpu.memory_space<vmem>>, vector<16xi32>,
    %bitcast3A_377 = vector.bitcast %get3A_376 : vector<16xi32> to vector<16xf32>
    %add3A_378 = arith.constant 4096 : i32
    %add3A_379 = vector.broadcast %add3A_378 : i32 to vector<16xi32>
    %add3A_380 = arith.addi %get3A_374, %add3A_379 : vector<16xi32>
    %gather3A_381 = tpu.vector_load_idx %arg6[%add3A_380] : memref<16384xf32, #tpu.memory_space<vmem>>[vector<16xi32>], vector<16xf32>,
    %mul3A_382 = arith.mulf %bitcast3A_377, %gather3A_381 : vector<16xf32>
    %add3A_383 = arith.addf %add3A_372, %mul3A_382 : vector<16xf32>
    %get3A_384 = arith.constant 208 : index
    %get3A_385 = tpu.vector_load %arg5[%get3A_384] {strides = array<i32>} : memref<560xi32, #tpu.memory_space<vmem>>, vector<16xi32>,
    %get3A_386 = arith.constant 480 : index
    %get3A_387 = tpu.vector_load %arg5[%get3A_386] {strides = array<i32>} : memref<560xi32, #tpu.memory_space<vmem>>, vector<16xi32>,
    %bitcast3A_388 = vector.bitcast %get3A_387 : vector<16xi32> to vector<16xf32>
    %add3A_389 = arith.constant 4096 : i32
    %add3A_390 = vector.broadcast %add3A_389 : i32 to vector<16xi32>
    %add3A_391 = arith.addi %get3A_385, %add3A_390 : vector<16xi32>
    %gather3A_392 = tpu.vector_load_idx %arg6[%add3A_391] : memref<16384xf32, #tpu.memory_space<vmem>>[vector<16xi32>], vector<16xf32>,
    %mul3A_393 = arith.mulf %bitcast3A_388, %gather3A_392 : vector<16xf32>
    %add3A_394 = arith.addf %add3A_383, %mul3A_393 : vector<16xf32>
    %get3A_395 = arith.constant 224 : index
    %get3A_396 = tpu.vector_load %arg5[%get3A_395] {strides = array<i32>} : memref<560xi32, #tpu.memory_space<vmem>>, vector<16xi32>,
    %get3A_397 = arith.constant 496 : index
    %get3A_398 = tpu.vector_load %arg5[%get3A_397] {strides = array<i32>} : memref<560xi32, #tpu.memory_space<vmem>>, vector<16xi32>,
    %bitcast3A_399 = vector.bitcast %get3A_398 : vector<16xi32> to vector<16xf32>
    %add3A_400 = arith.constant 4096 : i32
    %add3A_401 = vector.broadcast %add3A_400 : i32 to vector<16xi32>
    %add3A_402 = arith.addi %get3A_396, %add3A_401 : vector<16xi32>
    %gather3A_403 = tpu.vector_load_idx %arg6[%add3A_402] : memref<16384xf32, #tpu.memory_space<vmem>>[vector<16xi32>], vector<16xf32>,
    %mul3A_404 = arith.mulf %bitcast3A_399, %gather3A_403 : vector<16xf32>
    %add3A_405 = arith.addf %add3A_394, %mul3A_404 : vector<16xf32>
    %get3A_406 = arith.constant 240 : index
    %get3A_407 = tpu.vector_load %arg5[%get3A_406] {strides = array<i32>} : memref<560xi32, #tpu.memory_space<vmem>>, vector<16xi32>,
    %get3A_408 = arith.constant 512 : index
    %get3A_409 = tpu.vector_load %arg5[%get3A_408] {strides = array<i32>} : memref<560xi32, #tpu.memory_space<vmem>>, vector<16xi32>,
    %bitcast3A_410 = vector.bitcast %get3A_409 : vector<16xi32> to vector<16xf32>
    %add3A_411 = arith.constant 4096 : i32
    %add3A_412 = vector.broadcast %add3A_411 : i32 to vector<16xi32>
    %add3A_413 = arith.addi %get3A_407, %add3A_412 : vector<16xi32>
    %gather3A_414 = tpu.vector_load_idx %arg6[%add3A_413] : memref<16384xf32, #tpu.memory_space<vmem>>[vector<16xi32>], vector<16xf32>,
    %mul3A_415 = arith.mulf %bitcast3A_410, %gather3A_414 : vector<16xf32>
    %add3A_416 = arith.addf %add3A_405, %mul3A_415 : vector<16xf32>
    %get3A_417 = arith.constant 256 : index
    %get3A_418 = tpu.vector_load %arg5[%get3A_417] {strides = array<i32>} : memref<560xi32, #tpu.memory_space<vmem>>, vector<16xi32>,
    %get3A_419 = arith.constant 528 : index
    %get3A_420 = tpu.vector_load %arg5[%get3A_419] {strides = array<i32>} : memref<560xi32, #tpu.memory_space<vmem>>, vector<16xi32>,
    %bitcast3A_421 = vector.bitcast %get3A_420 : vector<16xi32> to vector<16xf32>
    %add3A_422 = arith.constant 4096 : i32
    %add3A_423 = vector.broadcast %add3A_422 : i32 to vector<16xi32>
    %add3A_424 = arith.addi %get3A_418, %add3A_423 : vector<16xi32>
    %gather3A_425 = tpu.vector_load_idx %arg6[%add3A_424] : memref<16384xf32, #tpu.memory_space<vmem>>[vector<16xi32>], vector<16xf32>,
    %mul3A_426 = arith.mulf %bitcast3A_421, %gather3A_425 : vector<16xf32>
    %add3A_427 = arith.addf %add3A_416, %mul3A_426 : vector<16xf32>
    %dma_wait3A_428 = arith.constant 8192 : i32
    %dma_wait3A_429 = tpu.memref_slice %arg6[%dma_wait3A_428] : memref<16384xf32, #tpu.memory_space<vmem>> -> memref<4096xf32, #tpu.memory_space<vmem>>
    %dma_wait3A_430 = tpu.memref_slice %arg2[%mul3A_22] : memref<262144xf32, #tpu.memory_space<hbm>> -> memref<4096xf32, #tpu.memory_space<hbm>>
    %dma_wait3A_431 = arith.constant 8192 : i32
    %dma_wait3A_432 = tpu.memref_slice %arg6[%dma_wait3A_431] : memref<16384xf32, #tpu.memory_space<vmem>> -> memref<4096xf32, #tpu.memory_space<vmem>>
    %dma_wait3A_433 = tpu.memref_slice %arg2[%mul3A_22] : memref<262144xf32, #tpu.memory_space<hbm>> -> memref<4096xf32, #tpu.memory_space<hbm>>
    tpu.wait_dma2 semaphore(%arg14 : memref<!tpu.dma_semaphore, #tpu.memory_space<semaphore_mem>>) src(%dma_wait3A_433 : memref<4096xf32, #tpu.memory_space<hbm>>) dst(%dma_wait3A_432 : memref<4096xf32, #tpu.memory_space<vmem>>)
    %get3A_434 = arith.constant 0 : index
    %get3A_435 = tpu.vector_load %arg5[%get3A_434] {strides = array<i32>} : memref<560xi32, #tpu.memory_space<vmem>>, vector<16xi32>,
    %get3A_436 = arith.constant 272 : index
    %get3A_437 = tpu.vector_load %arg5[%get3A_436] {strides = array<i32>} : memref<560xi32, #tpu.memory_space<vmem>>, vector<16xi32>,
    %bitcast3A_438 = vector.bitcast %get3A_437 : vector<16xi32> to vector<16xf32>
    %add3A_439 = arith.constant 8192 : i32
    %add3A_440 = vector.broadcast %add3A_439 : i32 to vector<16xi32>
    %add3A_441 = arith.addi %get3A_435, %add3A_440 : vector<16xi32>
    %gather3A_442 = tpu.vector_load_idx %arg6[%add3A_441] : memref<16384xf32, #tpu.memory_space<vmem>>[vector<16xi32>], vector<16xf32>,
    %mul3A_443 = arith.mulf %bitcast3A_438, %gather3A_442 : vector<16xf32>
    %add3A_444 = arith.addf %broadcast_in_dim3A_43, %mul3A_443 : vector<16xf32>
    %get3A_445 = arith.constant 16 : index
    %get3A_446 = tpu.vector_load %arg5[%get3A_445] {strides = array<i32>} : memref<560xi32, #tpu.memory_space<vmem>>, vector<16xi32>,
    %get3A_447 = arith.constant 288 : index
    %get3A_448 = tpu.vector_load %arg5[%get3A_447] {strides = array<i32>} : memref<560xi32, #tpu.memory_space<vmem>>, vector<16xi32>,
    %bitcast3A_449 = vector.bitcast %get3A_448 : vector<16xi32> to vector<16xf32>
    %add3A_450 = arith.constant 8192 : i32
    %add3A_451 = vector.broadcast %add3A_450 : i32 to vector<16xi32>
    %add3A_452 = arith.addi %get3A_446, %add3A_451 : vector<16xi32>
    %gather3A_453 = tpu.vector_load_idx %arg6[%add3A_452] : memref<16384xf32, #tpu.memory_space<vmem>>[vector<16xi32>], vector<16xf32>,
    %mul3A_454 = arith.mulf %bitcast3A_449, %gather3A_453 : vector<16xf32>
    %add3A_455 = arith.addf %add3A_444, %mul3A_454 : vector<16xf32>
    %get3A_456 = arith.constant 32 : index
    %get3A_457 = tpu.vector_load %arg5[%get3A_456] {strides = array<i32>} : memref<560xi32, #tpu.memory_space<vmem>>, vector<16xi32>,
    %get3A_458 = arith.constant 304 : index
    %get3A_459 = tpu.vector_load %arg5[%get3A_458] {strides = array<i32>} : memref<560xi32, #tpu.memory_space<vmem>>, vector<16xi32>,
    %bitcast3A_460 = vector.bitcast %get3A_459 : vector<16xi32> to vector<16xf32>
    %add3A_461 = arith.constant 8192 : i32
    %add3A_462 = vector.broadcast %add3A_461 : i32 to vector<16xi32>
    %add3A_463 = arith.addi %get3A_457, %add3A_462 : vector<16xi32>
    %gather3A_464 = tpu.vector_load_idx %arg6[%add3A_463] : memref<16384xf32, #tpu.memory_space<vmem>>[vector<16xi32>], vector<16xf32>,
    %mul3A_465 = arith.mulf %bitcast3A_460, %gather3A_464 : vector<16xf32>
    %add3A_466 = arith.addf %add3A_455, %mul3A_465 : vector<16xf32>
    %get3A_467 = arith.constant 48 : index
    %get3A_468 = tpu.vector_load %arg5[%get3A_467] {strides = array<i32>} : memref<560xi32, #tpu.memory_space<vmem>>, vector<16xi32>,
    %get3A_469 = arith.constant 320 : index
    %get3A_470 = tpu.vector_load %arg5[%get3A_469] {strides = array<i32>} : memref<560xi32, #tpu.memory_space<vmem>>, vector<16xi32>,
    %bitcast3A_471 = vector.bitcast %get3A_470 : vector<16xi32> to vector<16xf32>
    %add3A_472 = arith.constant 8192 : i32
    %add3A_473 = vector.broadcast %add3A_472 : i32 to vector<16xi32>
    %add3A_474 = arith.addi %get3A_468, %add3A_473 : vector<16xi32>
    %gather3A_475 = tpu.vector_load_idx %arg6[%add3A_474] : memref<16384xf32, #tpu.memory_space<vmem>>[vector<16xi32>], vector<16xf32>,
    %mul3A_476 = arith.mulf %bitcast3A_471, %gather3A_475 : vector<16xf32>
    %add3A_477 = arith.addf %add3A_466, %mul3A_476 : vector<16xf32>
    %get3A_478 = arith.constant 64 : index
    %get3A_479 = tpu.vector_load %arg5[%get3A_478] {strides = array<i32>} : memref<560xi32, #tpu.memory_space<vmem>>, vector<16xi32>,
    %get3A_480 = arith.constant 336 : index
    %get3A_481 = tpu.vector_load %arg5[%get3A_480] {strides = array<i32>} : memref<560xi32, #tpu.memory_space<vmem>>, vector<16xi32>,
    %bitcast3A_482 = vector.bitcast %get3A_481 : vector<16xi32> to vector<16xf32>
    %add3A_483 = arith.constant 8192 : i32
    %add3A_484 = vector.broadcast %add3A_483 : i32 to vector<16xi32>
    %add3A_485 = arith.addi %get3A_479, %add3A_484 : vector<16xi32>
    %gather3A_486 = tpu.vector_load_idx %arg6[%add3A_485] : memref<16384xf32, #tpu.memory_space<vmem>>[vector<16xi32>], vector<16xf32>,
    %mul3A_487 = arith.mulf %bitcast3A_482, %gather3A_486 : vector<16xf32>
    %add3A_488 = arith.addf %add3A_477, %mul3A_487 : vector<16xf32>
    %get3A_489 = arith.constant 80 : index
    %get3A_490 = tpu.vector_load %arg5[%get3A_489] {strides = array<i32>} : memref<560xi32, #tpu.memory_space<vmem>>, vector<16xi32>,
    %get3A_491 = arith.constant 352 : index
    %get3A_492 = tpu.vector_load %arg5[%get3A_491] {strides = array<i32>} : memref<560xi32, #tpu.memory_space<vmem>>, vector<16xi32>,
    %bitcast3A_493 = vector.bitcast %get3A_492 : vector<16xi32> to vector<16xf32>
    %add3A_494 = arith.constant 8192 : i32
    %add3A_495 = vector.broadcast %add3A_494 : i32 to vector<16xi32>
    %add3A_496 = arith.addi %get3A_490, %add3A_495 : vector<16xi32>
    %gather3A_497 = tpu.vector_load_idx %arg6[%add3A_496] : memref<16384xf32, #tpu.memory_space<vmem>>[vector<16xi32>], vector<16xf32>,
    %mul3A_498 = arith.mulf %bitcast3A_493, %gather3A_497 : vector<16xf32>
    %add3A_499 = arith.addf %add3A_488, %mul3A_498 : vector<16xf32>
    %get3A_500 = arith.constant 96 : index
    %get3A_501 = tpu.vector_load %arg5[%get3A_500] {strides = array<i32>} : memref<560xi32, #tpu.memory_space<vmem>>, vector<16xi32>,
    %get3A_502 = arith.constant 368 : index
    %get3A_503 = tpu.vector_load %arg5[%get3A_502] {strides = array<i32>} : memref<560xi32, #tpu.memory_space<vmem>>, vector<16xi32>,
    %bitcast3A_504 = vector.bitcast %get3A_503 : vector<16xi32> to vector<16xf32>
    %add3A_505 = arith.constant 8192 : i32
    %add3A_506 = vector.broadcast %add3A_505 : i32 to vector<16xi32>
    %add3A_507 = arith.addi %get3A_501, %add3A_506 : vector<16xi32>
    %gather3A_508 = tpu.vector_load_idx %arg6[%add3A_507] : memref<16384xf32, #tpu.memory_space<vmem>>[vector<16xi32>], vector<16xf32>,
    %mul3A_509 = arith.mulf %bitcast3A_504, %gather3A_508 : vector<16xf32>
    %add3A_510 = arith.addf %add3A_499, %mul3A_509 : vector<16xf32>
    %get3A_511 = arith.constant 112 : index
    %get3A_512 = tpu.vector_load %arg5[%get3A_511] {strides = array<i32>} : memref<560xi32, #tpu.memory_space<vmem>>, vector<16xi32>,
    %get3A_513 = arith.constant 384 : index
    %get3A_514 = tpu.vector_load %arg5[%get3A_513] {strides = array<i32>} : memref<560xi32, #tpu.memory_space<vmem>>, vector<16xi32>,
    %bitcast3A_515 = vector.bitcast %get3A_514 : vector<16xi32> to vector<16xf32>
    %add3A_516 = arith.constant 8192 : i32
    %add3A_517 = vector.broadcast %add3A_516 : i32 to vector<16xi32>
    %add3A_518 = arith.addi %get3A_512, %add3A_517 : vector<16xi32>
    %gather3A_519 = tpu.vector_load_idx %arg6[%add3A_518] : memref<16384xf32, #tpu.memory_space<vmem>>[vector<16xi32>], vector<16xf32>,
    %mul3A_520 = arith.mulf %bitcast3A_515, %gather3A_519 : vector<16xf32>
    %add3A_521 = arith.addf %add3A_510, %mul3A_520 : vector<16xf32>
    %get3A_522 = arith.constant 128 : index
    %get3A_523 = tpu.vector_load %arg5[%get3A_522] {strides = array<i32>} : memref<560xi32, #tpu.memory_space<vmem>>, vector<16xi32>,
    %get3A_524 = arith.constant 400 : index
    %get3A_525 = tpu.vector_load %arg5[%get3A_524] {strides = array<i32>} : memref<560xi32, #tpu.memory_space<vmem>>, vector<16xi32>,
    %bitcast3A_526 = vector.bitcast %get3A_525 : vector<16xi32> to vector<16xf32>
    %add3A_527 = arith.constant 8192 : i32
    %add3A_528 = vector.broadcast %add3A_527 : i32 to vector<16xi32>
    %add3A_529 = arith.addi %get3A_523, %add3A_528 : vector<16xi32>
    %gather3A_530 = tpu.vector_load_idx %arg6[%add3A_529] : memref<16384xf32, #tpu.memory_space<vmem>>[vector<16xi32>], vector<16xf32>,
    %mul3A_531 = arith.mulf %bitcast3A_526, %gather3A_530 : vector<16xf32>
    %add3A_532 = arith.addf %add3A_521, %mul3A_531 : vector<16xf32>
    %get3A_533 = arith.constant 144 : index
    %get3A_534 = tpu.vector_load %arg5[%get3A_533] {strides = array<i32>} : memref<560xi32, #tpu.memory_space<vmem>>, vector<16xi32>,
    %get3A_535 = arith.constant 416 : index
    %get3A_536 = tpu.vector_load %arg5[%get3A_535] {strides = array<i32>} : memref<560xi32, #tpu.memory_space<vmem>>, vector<16xi32>,
    %bitcast3A_537 = vector.bitcast %get3A_536 : vector<16xi32> to vector<16xf32>
    %add3A_538 = arith.constant 8192 : i32
    %add3A_539 = vector.broadcast %add3A_538 : i32 to vector<16xi32>
    %add3A_540 = arith.addi %get3A_534, %add3A_539 : vector<16xi32>
    %gather3A_541 = tpu.vector_load_idx %arg6[%add3A_540] : memref<16384xf32, #tpu.memory_space<vmem>>[vector<16xi32>], vector<16xf32>,
    %mul3A_542 = arith.mulf %bitcast3A_537, %gather3A_541 : vector<16xf32>
    %add3A_543 = arith.addf %add3A_532, %mul3A_542 : vector<16xf32>
    %get3A_544 = arith.constant 160 : index
    %get3A_545 = tpu.vector_load %arg5[%get3A_544] {strides = array<i32>} : memref<560xi32, #tpu.memory_space<vmem>>, vector<16xi32>,
    %get3A_546 = arith.constant 432 : index
    %get3A_547 = tpu.vector_load %arg5[%get3A_546] {strides = array<i32>} : memref<560xi32, #tpu.memory_space<vmem>>, vector<16xi32>,
    %bitcast3A_548 = vector.bitcast %get3A_547 : vector<16xi32> to vector<16xf32>
    %add3A_549 = arith.constant 8192 : i32
    %add3A_550 = vector.broadcast %add3A_549 : i32 to vector<16xi32>
    %add3A_551 = arith.addi %get3A_545, %add3A_550 : vector<16xi32>
    %gather3A_552 = tpu.vector_load_idx %arg6[%add3A_551] : memref<16384xf32, #tpu.memory_space<vmem>>[vector<16xi32>], vector<16xf32>,
    %mul3A_553 = arith.mulf %bitcast3A_548, %gather3A_552 : vector<16xf32>
    %add3A_554 = arith.addf %add3A_543, %mul3A_553 : vector<16xf32>
    %get3A_555 = arith.constant 176 : index
    %get3A_556 = tpu.vector_load %arg5[%get3A_555] {strides = array<i32>} : memref<560xi32, #tpu.memory_space<vmem>>, vector<16xi32>,
    %get3A_557 = arith.constant 448 : index
    %get3A_558 = tpu.vector_load %arg5[%get3A_557] {strides = array<i32>} : memref<560xi32, #tpu.memory_space<vmem>>, vector<16xi32>,
    %bitcast3A_559 = vector.bitcast %get3A_558 : vector<16xi32> to vector<16xf32>
    %add3A_560 = arith.constant 8192 : i32
    %add3A_561 = vector.broadcast %add3A_560 : i32 to vector<16xi32>
    %add3A_562 = arith.addi %get3A_556, %add3A_561 : vector<16xi32>
    %gather3A_563 = tpu.vector_load_idx %arg6[%add3A_562] : memref<16384xf32, #tpu.memory_space<vmem>>[vector<16xi32>], vector<16xf32>,
    %mul3A_564 = arith.mulf %bitcast3A_559, %gather3A_563 : vector<16xf32>
    %add3A_565 = arith.addf %add3A_554, %mul3A_564 : vector<16xf32>
    %get3A_566 = arith.constant 192 : index
    %get3A_567 = tpu.vector_load %arg5[%get3A_566] {strides = array<i32>} : memref<560xi32, #tpu.memory_space<vmem>>, vector<16xi32>,
    %get3A_568 = arith.constant 464 : index
    %get3A_569 = tpu.vector_load %arg5[%get3A_568] {strides = array<i32>} : memref<560xi32, #tpu.memory_space<vmem>>, vector<16xi32>,
    %bitcast3A_570 = vector.bitcast %get3A_569 : vector<16xi32> to vector<16xf32>
    %add3A_571 = arith.constant 8192 : i32
    %add3A_572 = vector.broadcast %add3A_571 : i32 to vector<16xi32>
    %add3A_573 = arith.addi %get3A_567, %add3A_572 : vector<16xi32>
    %gather3A_574 = tpu.vector_load_idx %arg6[%add3A_573] : memref<16384xf32, #tpu.memory_space<vmem>>[vector<16xi32>], vector<16xf32>,
    %mul3A_575 = arith.mulf %bitcast3A_570, %gather3A_574 : vector<16xf32>
    %add3A_576 = arith.addf %add3A_565, %mul3A_575 : vector<16xf32>
    %get3A_577 = arith.constant 208 : index
    %get3A_578 = tpu.vector_load %arg5[%get3A_577] {strides = array<i32>} : memref<560xi32, #tpu.memory_space<vmem>>, vector<16xi32>,
    %get3A_579 = arith.constant 480 : index
    %get3A_580 = tpu.vector_load %arg5[%get3A_579] {strides = array<i32>} : memref<560xi32, #tpu.memory_space<vmem>>, vector<16xi32>,
    %bitcast3A_581 = vector.bitcast %get3A_580 : vector<16xi32> to vector<16xf32>
    %add3A_582 = arith.constant 8192 : i32
    %add3A_583 = vector.broadcast %add3A_582 : i32 to vector<16xi32>
    %add3A_584 = arith.addi %get3A_578, %add3A_583 : vector<16xi32>
    %gather3A_585 = tpu.vector_load_idx %arg6[%add3A_584] : memref<16384xf32, #tpu.memory_space<vmem>>[vector<16xi32>], vector<16xf32>,
    %mul3A_586 = arith.mulf %bitcast3A_581, %gather3A_585 : vector<16xf32>
    %add3A_587 = arith.addf %add3A_576, %mul3A_586 : vector<16xf32>
    %get3A_588 = arith.constant 224 : index
    %get3A_589 = tpu.vector_load %arg5[%get3A_588] {strides = array<i32>} : memref<560xi32, #tpu.memory_space<vmem>>, vector<16xi32>,
    %get3A_590 = arith.constant 496 : index
    %get3A_591 = tpu.vector_load %arg5[%get3A_590] {strides = array<i32>} : memref<560xi32, #tpu.memory_space<vmem>>, vector<16xi32>,
    %bitcast3A_592 = vector.bitcast %get3A_591 : vector<16xi32> to vector<16xf32>
    %add3A_593 = arith.constant 8192 : i32
    %add3A_594 = vector.broadcast %add3A_593 : i32 to vector<16xi32>
    %add3A_595 = arith.addi %get3A_589, %add3A_594 : vector<16xi32>
    %gather3A_596 = tpu.vector_load_idx %arg6[%add3A_595] : memref<16384xf32, #tpu.memory_space<vmem>>[vector<16xi32>], vector<16xf32>,
    %mul3A_597 = arith.mulf %bitcast3A_592, %gather3A_596 : vector<16xf32>
    %add3A_598 = arith.addf %add3A_587, %mul3A_597 : vector<16xf32>
    %get3A_599 = arith.constant 240 : index
    %get3A_600 = tpu.vector_load %arg5[%get3A_599] {strides = array<i32>} : memref<560xi32, #tpu.memory_space<vmem>>, vector<16xi32>,
    %get3A_601 = arith.constant 512 : index
    %get3A_602 = tpu.vector_load %arg5[%get3A_601] {strides = array<i32>} : memref<560xi32, #tpu.memory_space<vmem>>, vector<16xi32>,
    %bitcast3A_603 = vector.bitcast %get3A_602 : vector<16xi32> to vector<16xf32>
    %add3A_604 = arith.constant 8192 : i32
    %add3A_605 = vector.broadcast %add3A_604 : i32 to vector<16xi32>
    %add3A_606 = arith.addi %get3A_600, %add3A_605 : vector<16xi32>
    %gather3A_607 = tpu.vector_load_idx %arg6[%add3A_606] : memref<16384xf32, #tpu.memory_space<vmem>>[vector<16xi32>], vector<16xf32>,
    %mul3A_608 = arith.mulf %bitcast3A_603, %gather3A_607 : vector<16xf32>
    %add3A_609 = arith.addf %add3A_598, %mul3A_608 : vector<16xf32>
    %get3A_610 = arith.constant 256 : index
    %get3A_611 = tpu.vector_load %arg5[%get3A_610] {strides = array<i32>} : memref<560xi32, #tpu.memory_space<vmem>>, vector<16xi32>,
    %get3A_612 = arith.constant 528 : index
    %get3A_613 = tpu.vector_load %arg5[%get3A_612] {strides = array<i32>} : memref<560xi32, #tpu.memory_space<vmem>>, vector<16xi32>,
    %bitcast3A_614 = vector.bitcast %get3A_613 : vector<16xi32> to vector<16xf32>
    %add3A_615 = arith.constant 8192 : i32
    %add3A_616 = vector.broadcast %add3A_615 : i32 to vector<16xi32>
    %add3A_617 = arith.addi %get3A_611, %add3A_616 : vector<16xi32>
    %gather3A_618 = tpu.vector_load_idx %arg6[%add3A_617] : memref<16384xf32, #tpu.memory_space<vmem>>[vector<16xi32>], vector<16xf32>,
    %mul3A_619 = arith.mulf %bitcast3A_614, %gather3A_618 : vector<16xf32>
    %add3A_620 = arith.addf %add3A_609, %mul3A_619 : vector<16xf32>
    %dma_wait3A_621 = arith.constant 12288 : i32
    %dma_wait3A_622 = tpu.memref_slice %arg6[%dma_wait3A_621] : memref<16384xf32, #tpu.memory_space<vmem>> -> memref<4096xf32, #tpu.memory_space<vmem>>
    %dma_wait3A_623 = tpu.memref_slice %arg2[%mul3A_32] : memref<262144xf32, #tpu.memory_space<hbm>> -> memref<4096xf32, #tpu.memory_space<hbm>>
    %dma_wait3A_624 = arith.constant 12288 : i32
    %dma_wait3A_625 = tpu.memref_slice %arg6[%dma_wait3A_624] : memref<16384xf32, #tpu.memory_space<vmem>> -> memref<4096xf32, #tpu.memory_space<vmem>>
    %dma_wait3A_626 = tpu.memref_slice %arg2[%mul3A_32] : memref<262144xf32, #tpu.memory_space<hbm>> -> memref<4096xf32, #tpu.memory_space<hbm>>
    tpu.wait_dma2 semaphore(%arg15 : memref<!tpu.dma_semaphore, #tpu.memory_space<semaphore_mem>>) src(%dma_wait3A_626 : memref<4096xf32, #tpu.memory_space<hbm>>) dst(%dma_wait3A_625 : memref<4096xf32, #tpu.memory_space<vmem>>)
    %get3A_627 = arith.constant 0 : index
    %get3A_628 = tpu.vector_load %arg5[%get3A_627] {strides = array<i32>} : memref<560xi32, #tpu.memory_space<vmem>>, vector<16xi32>,
    %get3A_629 = arith.constant 272 : index
    %get3A_630 = tpu.vector_load %arg5[%get3A_629] {strides = array<i32>} : memref<560xi32, #tpu.memory_space<vmem>>, vector<16xi32>,
    %bitcast3A_631 = vector.bitcast %get3A_630 : vector<16xi32> to vector<16xf32>
    %add3A_632 = arith.constant 12288 : i32
    %add3A_633 = vector.broadcast %add3A_632 : i32 to vector<16xi32>
    %add3A_634 = arith.addi %get3A_628, %add3A_633 : vector<16xi32>
    %gather3A_635 = tpu.vector_load_idx %arg6[%add3A_634] : memref<16384xf32, #tpu.memory_space<vmem>>[vector<16xi32>], vector<16xf32>,
    %mul3A_636 = arith.mulf %bitcast3A_631, %gather3A_635 : vector<16xf32>
    %add3A_637 = arith.addf %broadcast_in_dim3A_45, %mul3A_636 : vector<16xf32>
    %get3A_638 = arith.constant 16 : index
    %get3A_639 = tpu.vector_load %arg5[%get3A_638] {strides = array<i32>} : memref<560xi32, #tpu.memory_space<vmem>>, vector<16xi32>,
    %get3A_640 = arith.constant 288 : index
    %get3A_641 = tpu.vector_load %arg5[%get3A_640] {strides = array<i32>} : memref<560xi32, #tpu.memory_space<vmem>>, vector<16xi32>,
    %bitcast3A_642 = vector.bitcast %get3A_641 : vector<16xi32> to vector<16xf32>
    %add3A_643 = arith.constant 12288 : i32
    %add3A_644 = vector.broadcast %add3A_643 : i32 to vector<16xi32>
    %add3A_645 = arith.addi %get3A_639, %add3A_644 : vector<16xi32>
    %gather3A_646 = tpu.vector_load_idx %arg6[%add3A_645] : memref<16384xf32, #tpu.memory_space<vmem>>[vector<16xi32>], vector<16xf32>,
    %mul3A_647 = arith.mulf %bitcast3A_642, %gather3A_646 : vector<16xf32>
    %add3A_648 = arith.addf %add3A_637, %mul3A_647 : vector<16xf32>
    %get3A_649 = arith.constant 32 : index
    %get3A_650 = tpu.vector_load %arg5[%get3A_649] {strides = array<i32>} : memref<560xi32, #tpu.memory_space<vmem>>, vector<16xi32>,
    %get3A_651 = arith.constant 304 : index
    %get3A_652 = tpu.vector_load %arg5[%get3A_651] {strides = array<i32>} : memref<560xi32, #tpu.memory_space<vmem>>, vector<16xi32>,
    %bitcast3A_653 = vector.bitcast %get3A_652 : vector<16xi32> to vector<16xf32>
    %add3A_654 = arith.constant 12288 : i32
    %add3A_655 = vector.broadcast %add3A_654 : i32 to vector<16xi32>
    %add3A_656 = arith.addi %get3A_650, %add3A_655 : vector<16xi32>
    %gather3A_657 = tpu.vector_load_idx %arg6[%add3A_656] : memref<16384xf32, #tpu.memory_space<vmem>>[vector<16xi32>], vector<16xf32>,
    %mul3A_658 = arith.mulf %bitcast3A_653, %gather3A_657 : vector<16xf32>
    %add3A_659 = arith.addf %add3A_648, %mul3A_658 : vector<16xf32>
    %get3A_660 = arith.constant 48 : index
    %get3A_661 = tpu.vector_load %arg5[%get3A_660] {strides = array<i32>} : memref<560xi32, #tpu.memory_space<vmem>>, vector<16xi32>,
    %get3A_662 = arith.constant 320 : index
    %get3A_663 = tpu.vector_load %arg5[%get3A_662] {strides = array<i32>} : memref<560xi32, #tpu.memory_space<vmem>>, vector<16xi32>,
    %bitcast3A_664 = vector.bitcast %get3A_663 : vector<16xi32> to vector<16xf32>
    %add3A_665 = arith.constant 12288 : i32
    %add3A_666 = vector.broadcast %add3A_665 : i32 to vector<16xi32>
    %add3A_667 = arith.addi %get3A_661, %add3A_666 : vector<16xi32>
    %gather3A_668 = tpu.vector_load_idx %arg6[%add3A_667] : memref<16384xf32, #tpu.memory_space<vmem>>[vector<16xi32>], vector<16xf32>,
    %mul3A_669 = arith.mulf %bitcast3A_664, %gather3A_668 : vector<16xf32>
    %add3A_670 = arith.addf %add3A_659, %mul3A_669 : vector<16xf32>
    %get3A_671 = arith.constant 64 : index
    %get3A_672 = tpu.vector_load %arg5[%get3A_671] {strides = array<i32>} : memref<560xi32, #tpu.memory_space<vmem>>, vector<16xi32>,
    %get3A_673 = arith.constant 336 : index
    %get3A_674 = tpu.vector_load %arg5[%get3A_673] {strides = array<i32>} : memref<560xi32, #tpu.memory_space<vmem>>, vector<16xi32>,
    %bitcast3A_675 = vector.bitcast %get3A_674 : vector<16xi32> to vector<16xf32>
    %add3A_676 = arith.constant 12288 : i32
    %add3A_677 = vector.broadcast %add3A_676 : i32 to vector<16xi32>
    %add3A_678 = arith.addi %get3A_672, %add3A_677 : vector<16xi32>
    %gather3A_679 = tpu.vector_load_idx %arg6[%add3A_678] : memref<16384xf32, #tpu.memory_space<vmem>>[vector<16xi32>], vector<16xf32>,
    %mul3A_680 = arith.mulf %bitcast3A_675, %gather3A_679 : vector<16xf32>
    %add3A_681 = arith.addf %add3A_670, %mul3A_680 : vector<16xf32>
    %get3A_682 = arith.constant 80 : index
    %get3A_683 = tpu.vector_load %arg5[%get3A_682] {strides = array<i32>} : memref<560xi32, #tpu.memory_space<vmem>>, vector<16xi32>,
    %get3A_684 = arith.constant 352 : index
    %get3A_685 = tpu.vector_load %arg5[%get3A_684] {strides = array<i32>} : memref<560xi32, #tpu.memory_space<vmem>>, vector<16xi32>,
    %bitcast3A_686 = vector.bitcast %get3A_685 : vector<16xi32> to vector<16xf32>
    %add3A_687 = arith.constant 12288 : i32
    %add3A_688 = vector.broadcast %add3A_687 : i32 to vector<16xi32>
    %add3A_689 = arith.addi %get3A_683, %add3A_688 : vector<16xi32>
    %gather3A_690 = tpu.vector_load_idx %arg6[%add3A_689] : memref<16384xf32, #tpu.memory_space<vmem>>[vector<16xi32>], vector<16xf32>,
    %mul3A_691 = arith.mulf %bitcast3A_686, %gather3A_690 : vector<16xf32>
    %add3A_692 = arith.addf %add3A_681, %mul3A_691 : vector<16xf32>
    %get3A_693 = arith.constant 96 : index
    %get3A_694 = tpu.vector_load %arg5[%get3A_693] {strides = array<i32>} : memref<560xi32, #tpu.memory_space<vmem>>, vector<16xi32>,
    %get3A_695 = arith.constant 368 : index
    %get3A_696 = tpu.vector_load %arg5[%get3A_695] {strides = array<i32>} : memref<560xi32, #tpu.memory_space<vmem>>, vector<16xi32>,
    %bitcast3A_697 = vector.bitcast %get3A_696 : vector<16xi32> to vector<16xf32>
    %add3A_698 = arith.constant 12288 : i32
    %add3A_699 = vector.broadcast %add3A_698 : i32 to vector<16xi32>
    %add3A_700 = arith.addi %get3A_694, %add3A_699 : vector<16xi32>
    %gather3A_701 = tpu.vector_load_idx %arg6[%add3A_700] : memref<16384xf32, #tpu.memory_space<vmem>>[vector<16xi32>], vector<16xf32>,
    %mul3A_702 = arith.mulf %bitcast3A_697, %gather3A_701 : vector<16xf32>
    %add3A_703 = arith.addf %add3A_692, %mul3A_702 : vector<16xf32>
    %get3A_704 = arith.constant 112 : index
    %get3A_705 = tpu.vector_load %arg5[%get3A_704] {strides = array<i32>} : memref<560xi32, #tpu.memory_space<vmem>>, vector<16xi32>,
    %get3A_706 = arith.constant 384 : index
    %get3A_707 = tpu.vector_load %arg5[%get3A_706] {strides = array<i32>} : memref<560xi32, #tpu.memory_space<vmem>>, vector<16xi32>,
    %bitcast3A_708 = vector.bitcast %get3A_707 : vector<16xi32> to vector<16xf32>
    %add3A_709 = arith.constant 12288 : i32
    %add3A_710 = vector.broadcast %add3A_709 : i32 to vector<16xi32>
    %add3A_711 = arith.addi %get3A_705, %add3A_710 : vector<16xi32>
    %gather3A_712 = tpu.vector_load_idx %arg6[%add3A_711] : memref<16384xf32, #tpu.memory_space<vmem>>[vector<16xi32>], vector<16xf32>,
    %mul3A_713 = arith.mulf %bitcast3A_708, %gather3A_712 : vector<16xf32>
    %add3A_714 = arith.addf %add3A_703, %mul3A_713 : vector<16xf32>
    %get3A_715 = arith.constant 128 : index
    %get3A_716 = tpu.vector_load %arg5[%get3A_715] {strides = array<i32>} : memref<560xi32, #tpu.memory_space<vmem>>, vector<16xi32>,
    %get3A_717 = arith.constant 400 : index
    %get3A_718 = tpu.vector_load %arg5[%get3A_717] {strides = array<i32>} : memref<560xi32, #tpu.memory_space<vmem>>, vector<16xi32>,
    %bitcast3A_719 = vector.bitcast %get3A_718 : vector<16xi32> to vector<16xf32>
    %add3A_720 = arith.constant 12288 : i32
    %add3A_721 = vector.broadcast %add3A_720 : i32 to vector<16xi32>
    %add3A_722 = arith.addi %get3A_716, %add3A_721 : vector<16xi32>
    %gather3A_723 = tpu.vector_load_idx %arg6[%add3A_722] : memref<16384xf32, #tpu.memory_space<vmem>>[vector<16xi32>], vector<16xf32>,
    %mul3A_724 = arith.mulf %bitcast3A_719, %gather3A_723 : vector<16xf32>
    %add3A_725 = arith.addf %add3A_714, %mul3A_724 : vector<16xf32>
    %get3A_726 = arith.constant 144 : index
    %get3A_727 = tpu.vector_load %arg5[%get3A_726] {strides = array<i32>} : memref<560xi32, #tpu.memory_space<vmem>>, vector<16xi32>,
    %get3A_728 = arith.constant 416 : index
    %get3A_729 = tpu.vector_load %arg5[%get3A_728] {strides = array<i32>} : memref<560xi32, #tpu.memory_space<vmem>>, vector<16xi32>,
    %bitcast3A_730 = vector.bitcast %get3A_729 : vector<16xi32> to vector<16xf32>
    %add3A_731 = arith.constant 12288 : i32
    %add3A_732 = vector.broadcast %add3A_731 : i32 to vector<16xi32>
    %add3A_733 = arith.addi %get3A_727, %add3A_732 : vector<16xi32>
    %gather3A_734 = tpu.vector_load_idx %arg6[%add3A_733] : memref<16384xf32, #tpu.memory_space<vmem>>[vector<16xi32>], vector<16xf32>,
    %mul3A_735 = arith.mulf %bitcast3A_730, %gather3A_734 : vector<16xf32>
    %add3A_736 = arith.addf %add3A_725, %mul3A_735 : vector<16xf32>
    %get3A_737 = arith.constant 160 : index
    %get3A_738 = tpu.vector_load %arg5[%get3A_737] {strides = array<i32>} : memref<560xi32, #tpu.memory_space<vmem>>, vector<16xi32>,
    %get3A_739 = arith.constant 432 : index
    %get3A_740 = tpu.vector_load %arg5[%get3A_739] {strides = array<i32>} : memref<560xi32, #tpu.memory_space<vmem>>, vector<16xi32>,
    %bitcast3A_741 = vector.bitcast %get3A_740 : vector<16xi32> to vector<16xf32>
    %add3A_742 = arith.constant 12288 : i32
    %add3A_743 = vector.broadcast %add3A_742 : i32 to vector<16xi32>
    %add3A_744 = arith.addi %get3A_738, %add3A_743 : vector<16xi32>
    %gather3A_745 = tpu.vector_load_idx %arg6[%add3A_744] : memref<16384xf32, #tpu.memory_space<vmem>>[vector<16xi32>], vector<16xf32>,
    %mul3A_746 = arith.mulf %bitcast3A_741, %gather3A_745 : vector<16xf32>
    %add3A_747 = arith.addf %add3A_736, %mul3A_746 : vector<16xf32>
    %get3A_748 = arith.constant 176 : index
    %get3A_749 = tpu.vector_load %arg5[%get3A_748] {strides = array<i32>} : memref<560xi32, #tpu.memory_space<vmem>>, vector<16xi32>,
    %get3A_750 = arith.constant 448 : index
    %get3A_751 = tpu.vector_load %arg5[%get3A_750] {strides = array<i32>} : memref<560xi32, #tpu.memory_space<vmem>>, vector<16xi32>,
    %bitcast3A_752 = vector.bitcast %get3A_751 : vector<16xi32> to vector<16xf32>
    %add3A_753 = arith.constant 12288 : i32
    %add3A_754 = vector.broadcast %add3A_753 : i32 to vector<16xi32>
    %add3A_755 = arith.addi %get3A_749, %add3A_754 : vector<16xi32>
    %gather3A_756 = tpu.vector_load_idx %arg6[%add3A_755] : memref<16384xf32, #tpu.memory_space<vmem>>[vector<16xi32>], vector<16xf32>,
    %mul3A_757 = arith.mulf %bitcast3A_752, %gather3A_756 : vector<16xf32>
    %add3A_758 = arith.addf %add3A_747, %mul3A_757 : vector<16xf32>
    %get3A_759 = arith.constant 192 : index
    %get3A_760 = tpu.vector_load %arg5[%get3A_759] {strides = array<i32>} : memref<560xi32, #tpu.memory_space<vmem>>, vector<16xi32>,
    %get3A_761 = arith.constant 464 : index
    %get3A_762 = tpu.vector_load %arg5[%get3A_761] {strides = array<i32>} : memref<560xi32, #tpu.memory_space<vmem>>, vector<16xi32>,
    %bitcast3A_763 = vector.bitcast %get3A_762 : vector<16xi32> to vector<16xf32>
    %add3A_764 = arith.constant 12288 : i32
    %add3A_765 = vector.broadcast %add3A_764 : i32 to vector<16xi32>
    %add3A_766 = arith.addi %get3A_760, %add3A_765 : vector<16xi32>
    %gather3A_767 = tpu.vector_load_idx %arg6[%add3A_766] : memref<16384xf32, #tpu.memory_space<vmem>>[vector<16xi32>], vector<16xf32>,
    %mul3A_768 = arith.mulf %bitcast3A_763, %gather3A_767 : vector<16xf32>
    %add3A_769 = arith.addf %add3A_758, %mul3A_768 : vector<16xf32>
    %get3A_770 = arith.constant 208 : index
    %get3A_771 = tpu.vector_load %arg5[%get3A_770] {strides = array<i32>} : memref<560xi32, #tpu.memory_space<vmem>>, vector<16xi32>,
    %get3A_772 = arith.constant 480 : index
    %get3A_773 = tpu.vector_load %arg5[%get3A_772] {strides = array<i32>} : memref<560xi32, #tpu.memory_space<vmem>>, vector<16xi32>,
    %bitcast3A_774 = vector.bitcast %get3A_773 : vector<16xi32> to vector<16xf32>
    %add3A_775 = arith.constant 12288 : i32
    %add3A_776 = vector.broadcast %add3A_775 : i32 to vector<16xi32>
    %add3A_777 = arith.addi %get3A_771, %add3A_776 : vector<16xi32>
    %gather3A_778 = tpu.vector_load_idx %arg6[%add3A_777] : memref<16384xf32, #tpu.memory_space<vmem>>[vector<16xi32>], vector<16xf32>,
    %mul3A_779 = arith.mulf %bitcast3A_774, %gather3A_778 : vector<16xf32>
    %add3A_780 = arith.addf %add3A_769, %mul3A_779 : vector<16xf32>
    %get3A_781 = arith.constant 224 : index
    %get3A_782 = tpu.vector_load %arg5[%get3A_781] {strides = array<i32>} : memref<560xi32, #tpu.memory_space<vmem>>, vector<16xi32>,
    %get3A_783 = arith.constant 496 : index
    %get3A_784 = tpu.vector_load %arg5[%get3A_783] {strides = array<i32>} : memref<560xi32, #tpu.memory_space<vmem>>, vector<16xi32>,
    %bitcast3A_785 = vector.bitcast %get3A_784 : vector<16xi32> to vector<16xf32>
    %add3A_786 = arith.constant 12288 : i32
    %add3A_787 = vector.broadcast %add3A_786 : i32 to vector<16xi32>
    %add3A_788 = arith.addi %get3A_782, %add3A_787 : vector<16xi32>
    %gather3A_789 = tpu.vector_load_idx %arg6[%add3A_788] : memref<16384xf32, #tpu.memory_space<vmem>>[vector<16xi32>], vector<16xf32>,
    %mul3A_790 = arith.mulf %bitcast3A_785, %gather3A_789 : vector<16xf32>
    %add3A_791 = arith.addf %add3A_780, %mul3A_790 : vector<16xf32>
    %get3A_792 = arith.constant 240 : index
    %get3A_793 = tpu.vector_load %arg5[%get3A_792] {strides = array<i32>} : memref<560xi32, #tpu.memory_space<vmem>>, vector<16xi32>,
    %get3A_794 = arith.constant 512 : index
    %get3A_795 = tpu.vector_load %arg5[%get3A_794] {strides = array<i32>} : memref<560xi32, #tpu.memory_space<vmem>>, vector<16xi32>,
    %bitcast3A_796 = vector.bitcast %get3A_795 : vector<16xi32> to vector<16xf32>
    %add3A_797 = arith.constant 12288 : i32
    %add3A_798 = vector.broadcast %add3A_797 : i32 to vector<16xi32>
    %add3A_799 = arith.addi %get3A_793, %add3A_798 : vector<16xi32>
    %gather3A_800 = tpu.vector_load_idx %arg6[%add3A_799] : memref<16384xf32, #tpu.memory_space<vmem>>[vector<16xi32>], vector<16xf32>,
    %mul3A_801 = arith.mulf %bitcast3A_796, %gather3A_800 : vector<16xf32>
    %add3A_802 = arith.addf %add3A_791, %mul3A_801 : vector<16xf32>
    %get3A_803 = arith.constant 256 : index
    %get3A_804 = tpu.vector_load %arg5[%get3A_803] {strides = array<i32>} : memref<560xi32, #tpu.memory_space<vmem>>, vector<16xi32>,
    %get3A_805 = arith.constant 528 : index
    %get3A_806 = tpu.vector_load %arg5[%get3A_805] {strides = array<i32>} : memref<560xi32, #tpu.memory_space<vmem>>, vector<16xi32>,
    %bitcast3A_807 = vector.bitcast %get3A_806 : vector<16xi32> to vector<16xf32>
    %add3A_808 = arith.constant 12288 : i32
    %add3A_809 = vector.broadcast %add3A_808 : i32 to vector<16xi32>
    %add3A_810 = arith.addi %get3A_804, %add3A_809 : vector<16xi32>
    %gather3A_811 = tpu.vector_load_idx %arg6[%add3A_810] : memref<16384xf32, #tpu.memory_space<vmem>>[vector<16xi32>], vector<16xf32>,
    %mul3A_812 = arith.mulf %bitcast3A_807, %gather3A_811 : vector<16xf32>
    %add3A_813 = arith.addf %add3A_802, %mul3A_812 : vector<16xf32>
    %reduce_sum3A = arith.constant true
    %reduce_sum3A_814 = vector.broadcast %reduce_sum3A : i1 to vector<16xi1>
    %reduce_sum3A_815 = tpu.scan <sum>, %add3A_234 masked %reduce_sum3A_814 : vector<16xf32>, vector<16xi1> -> vector<16xf32>
    %reduce_sum3A_816 = vector.extract %reduce_sum3A_815[15] : f32 from vector<16xf32>
    %reduce_sum3A_817 = arith.constant true
    %reduce_sum3A_818 = vector.broadcast %reduce_sum3A_817 : i1 to vector<16xi1>
    %reduce_sum3A_819 = tpu.scan <sum>, %add3A_427 masked %reduce_sum3A_818 : vector<16xf32>, vector<16xi1> -> vector<16xf32>
    %reduce_sum3A_820 = vector.extract %reduce_sum3A_819[15] : f32 from vector<16xf32>
    %reduce_sum3A_821 = arith.constant true
    %reduce_sum3A_822 = vector.broadcast %reduce_sum3A_821 : i1 to vector<16xi1>
    %reduce_sum3A_823 = tpu.scan <sum>, %add3A_620 masked %reduce_sum3A_822 : vector<16xf32>, vector<16xi1> -> vector<16xf32>
    %reduce_sum3A_824 = vector.extract %reduce_sum3A_823[15] : f32 from vector<16xf32>
    %reduce_sum3A_825 = arith.constant true
    %reduce_sum3A_826 = vector.broadcast %reduce_sum3A_825 : i1 to vector<16xi1>
    %reduce_sum3A_827 = tpu.scan <sum>, %add3A_813 masked %reduce_sum3A_826 : vector<16xf32>, vector<16xi1> -> vector<16xf32>
    %reduce_sum3A_828 = vector.extract %reduce_sum3A_827[15] : f32 from vector<16xf32>
    %iota3A = tpu.iota {dimensions = array<i32: 0>} : vector<16xi32>
    %broadcast_in_dim3A_829 = arith.constant 0.000000e+00 : f32
    %broadcast_in_dim3A_830 = vector.broadcast %broadcast_in_dim3A_829 : f32 to vector<16xf32>
    %eq3A = arith.constant 0 : i32
    %eq3A_831 = vector.broadcast %eq3A : i32 to vector<16xi32>
    %eq3A_832 = arith.cmpi eq, %iota3A, %eq3A_831 : vector<16xi32>
    %broadcast_in_dim3A_833 = vector.broadcast %reduce_sum3A_816 : f32 to vector<16xf32>
    %select_n3A = arith.select %eq3A_832, %broadcast_in_dim3A_833, %broadcast_in_dim3A_830 : vector<16xi1>, vector<16xf32>
    %eq3A_834 = arith.constant 1 : i32
    %eq3A_835 = vector.broadcast %eq3A_834 : i32 to vector<16xi32>
    %eq3A_836 = arith.cmpi eq, %iota3A, %eq3A_835 : vector<16xi32>
    %broadcast_in_dim3A_837 = vector.broadcast %reduce_sum3A_820 : f32 to vector<16xf32>
    %select_n3A_838 = arith.select %eq3A_836, %broadcast_in_dim3A_837, %select_n3A : vector<16xi1>, vector<16xf32>
    %eq3A_839 = arith.constant 2 : i32
    %eq3A_840 = vector.broadcast %eq3A_839 : i32 to vector<16xi32>
    %eq3A_841 = arith.cmpi eq, %iota3A, %eq3A_840 : vector<16xi32>
    %broadcast_in_dim3A_842 = vector.broadcast %reduce_sum3A_824 : f32 to vector<16xf32>
    %select_n3A_843 = arith.select %eq3A_841, %broadcast_in_dim3A_842, %select_n3A_838 : vector<16xi1>, vector<16xf32>
    %eq3A_844 = arith.constant 3 : i32
    %eq3A_845 = vector.broadcast %eq3A_844 : i32 to vector<16xi32>
    %eq3A_846 = arith.cmpi eq, %iota3A, %eq3A_845 : vector<16xi32>
    %broadcast_in_dim3A_847 = vector.broadcast %reduce_sum3A_828 : f32 to vector<16xf32>
    %select_n3A_848 = arith.select %eq3A_846, %broadcast_in_dim3A_847, %select_n3A_843 : vector<16xi1>, vector<16xf32>
    %swap3A = arith.constant 0 : index
    %swap3A_849 = tpu.vector_load %arg7[%swap3A] {strides = array<i32>} : memref<16xf32, #tpu.memory_space<vmem>>, vector<16xf32>,
    tpu.vector_store %arg7[%swap3A], %select_n3A_848 {strides = array<i32>} : memref<16xf32, #tpu.memory_space<vmem>>, vector<16xf32>,
    %mul3A_850 = arith.constant 16 : i32
    %mul3A_851 = arith.muli %arg1, %mul3A_850 : i32
    "tpu.region"() ({
      %run_scoped3A = tpu.sem_alloc : memref<!tpu.dma_semaphore, #tpu.memory_space<semaphore_mem>>
      %dma_start3A_866 = tpu.memref_slice %arg8[%mul3A_851] : memref<256xf32, #tpu.memory_space<vmem_shared>> -> memref<16xf32, #tpu.memory_space<vmem_shared>>
      %dma_start3A_867 = tpu.memref_slice %arg8[%mul3A_851] : memref<256xf32, #tpu.memory_space<vmem_shared>> -> memref<16xf32, #tpu.memory_space<vmem_shared>>
      tpu.enqueue_dma source(%arg7 : memref<16xf32, #tpu.memory_space<vmem>>) target(%dma_start3A_867 : memref<16xf32, #tpu.memory_space<vmem_shared>>) target_semaphore(%run_scoped3A : memref<!tpu.dma_semaphore, #tpu.memory_space<semaphore_mem>>)
      %dma_wait3A_868 = tpu.memref_slice %arg8[%mul3A_851] : memref<256xf32, #tpu.memory_space<vmem_shared>> -> memref<16xf32, #tpu.memory_space<vmem_shared>>
      %dma_wait3A_869 = tpu.memref_slice %arg8[%mul3A_851] : memref<256xf32, #tpu.memory_space<vmem_shared>> -> memref<16xf32, #tpu.memory_space<vmem_shared>>
      tpu.wait_dma2 semaphore(%run_scoped3A : memref<!tpu.dma_semaphore, #tpu.memory_space<semaphore_mem>>) src(%arg7 : memref<16xf32, #tpu.memory_space<vmem>>) dst(%dma_wait3A_869 : memref<16xf32, #tpu.memory_space<vmem_shared>>)
      tpu.yield
    }) : () -> ()
    %barrier3A = arith.constant 0 : index
    tpu.barrier barrier_id(%barrier3A)
    %jit3A = arith.constant 4 : i32
    %eq3A_852 = arith.constant 0 : i32
    %eq3A_853 = arith.cmpi eq, %jit3A, %eq3A_852 : i32
    %jit3A_854 = arith.constant 1 : i32
    %select_n3A_855 = arith.select %eq3A_853, %jit3A_854, %jit3A : i32
    %rem3A = arith.remsi %arg1, %select_n3A_855 : i32
    %ne3A = arith.constant 0 : i32
    %ne3A_856 = arith.cmpi ne, %rem3A, %ne3A : i32
    %lt3A = arith.constant 0 : i32
    %lt3A_857 = arith.cmpi slt, %rem3A, %lt3A : i32
    %lt3A_858 = arith.constant 0 : i32
    %lt3A_859 = arith.cmpi slt, %select_n3A_855, %lt3A_858 : i32
    %ne3A_860 = arith.xori %lt3A_857, %lt3A_859 : i1
    %and3A = arith.andi %ne3A_860, %ne3A_856 : i1
    %add3A_861 = arith.addi %rem3A, %select_n3A_855 : i32
    %select_n3A_862 = arith.select %and3A, %add3A_861, %rem3A : i32
    %eq3A_863 = arith.constant 0 : i32
    %eq3A_864 = arith.cmpi eq, %select_n3A_862, %eq3A_863 : i32
    %convert_element_type3A = arith.extui %eq3A_864 : i1 to i32
    %cond3A = arith.constant 0 : i32
    %cond3A_865 = arith.cmpi ne, %convert_element_type3A, %cond3A : i32
    scf.if %cond3A_865 {
      %jit3A_866 = arith.constant 4 : i32
      %div3A = arith.divsi %arg1, %jit3A_866 : i32
      %sign3A = arith.constant 0 : i32
      %sign3A_867 = arith.cmpi sgt, %arg1, %sign3A : i32
      %sign3A_868 = arith.extui %sign3A_867 : i1 to i32
      %sign3A_869 = arith.constant 0 : i32
      %sign3A_870 = arith.cmpi slt, %arg1, %sign3A_869 : i32
      %sign3A_871 = arith.extui %sign3A_870 : i1 to i32
      %sign3A_872 = arith.subi %sign3A_868, %sign3A_871 : i32
      %sign3A_873 = arith.constant 0 : i32
      %sign3A_874 = arith.cmpi sgt, %jit3A_866, %sign3A_873 : i32
      %sign3A_875 = arith.extui %sign3A_874 : i1 to i32
      %sign3A_876 = arith.constant 0 : i32
      %sign3A_877 = arith.cmpi slt, %jit3A_866, %sign3A_876 : i32
      %sign3A_878 = arith.extui %sign3A_877 : i1 to i32
      %sign3A_879 = arith.subi %sign3A_875, %sign3A_878 : i32
      %ne3A_880 = arith.cmpi ne, %sign3A_872, %sign3A_879 : i32
      %rem3A_881 = arith.remsi %arg1, %jit3A_866 : i32
      %ne3A_882 = arith.constant 0 : i32
      %ne3A_883 = arith.cmpi ne, %rem3A_881, %ne3A_882 : i32
      %and3A_884 = arith.andi %ne3A_880, %ne3A_883 : i1
      %sub3A = arith.constant 1 : i32
      %sub3A_885 = arith.subi %div3A, %sub3A : i32
      %select_n3A_886 = arith.select %and3A_884, %sub3A_885, %div3A : i32
      %mul3A_887 = arith.constant 4 : i32
      %mul3A_888 = arith.muli %select_n3A_886, %mul3A_887 : i32
      %mul3A_889 = arith.constant 16 : i32
      %mul3A_890 = arith.muli %mul3A_888, %mul3A_889 : i32
      "tpu.region"() ({
        %run_scoped3A = tpu.sem_alloc : memref<!tpu.dma_semaphore, #tpu.memory_space<semaphore_mem>>
        %dma_start3A_898 = tpu.memref_slice %arg8[%mul3A_890] : memref<256xf32, #tpu.memory_space<vmem_shared>> -> memref<64xf32, #tpu.memory_space<vmem_shared>>
        %dma_start3A_899 = tpu.memref_slice %arg8[%mul3A_890] : memref<256xf32, #tpu.memory_space<vmem_shared>> -> memref<64xf32, #tpu.memory_space<vmem_shared>>
        tpu.enqueue_dma source(%dma_start3A_899 : memref<64xf32, #tpu.memory_space<vmem_shared>>) target(%arg9 : memref<64xf32, #tpu.memory_space<vmem>>) target_semaphore(%run_scoped3A : memref<!tpu.dma_semaphore, #tpu.memory_space<semaphore_mem>>)
        %dma_wait3A_900 = tpu.memref_slice %arg8[%mul3A_890] : memref<256xf32, #tpu.memory_space<vmem_shared>> -> memref<64xf32, #tpu.memory_space<vmem_shared>>
        %dma_wait3A_901 = tpu.memref_slice %arg8[%mul3A_890] : memref<256xf32, #tpu.memory_space<vmem_shared>> -> memref<64xf32, #tpu.memory_space<vmem_shared>>
        tpu.wait_dma2 semaphore(%run_scoped3A : memref<!tpu.dma_semaphore, #tpu.memory_space<semaphore_mem>>) src(%dma_wait3A_901 : memref<64xf32, #tpu.memory_space<vmem_shared>>) dst(%arg9 : memref<64xf32, #tpu.memory_space<vmem>>)
        tpu.yield
      }) : () -> ()
      %get3A_891 = arith.constant 544 : index
      %get3A_892 = tpu.vector_load %arg5[%get3A_891] {strides = array<i32>} : memref<560xi32, #tpu.memory_space<vmem>>, vector<16xi32>,
      %gather3A_893 = tpu.vector_load_idx %arg9[%get3A_892] : memref<64xf32, #tpu.memory_space<vmem>>[vector<16xi32>], vector<16xf32>,
      %swap3A_894 = arith.constant 0 : index
      %swap3A_895 = tpu.vector_load %arg10[%swap3A_894] {strides = array<i32>} : memref<16xf32, #tpu.memory_space<vmem>>, vector<16xf32>,
      tpu.vector_store %arg10[%swap3A_894], %gather3A_893 {strides = array<i32>} : memref<16xf32, #tpu.memory_space<vmem>>, vector<16xf32>,
      %mul3A_896 = arith.constant 16 : i32
      %mul3A_897 = arith.muli %select_n3A_886, %mul3A_896 : i32
      "tpu.region"() ({
        %run_scoped3A = tpu.sem_alloc : memref<!tpu.dma_semaphore, #tpu.memory_space<semaphore_mem>>
        %dma_start3A_898 = tpu.memref_slice %arg4[%mul3A_897] : memref<64xf32, #tpu.memory_space<hbm>> -> memref<16xf32, #tpu.memory_space<hbm>>
        %dma_start3A_899 = tpu.memref_slice %arg4[%mul3A_897] : memref<64xf32, #tpu.memory_space<hbm>> -> memref<16xf32, #tpu.memory_space<hbm>>
        tpu.enqueue_dma source(%arg10 : memref<16xf32, #tpu.memory_space<vmem>>) target(%dma_start3A_899 : memref<16xf32, #tpu.memory_space<hbm>>) target_semaphore(%run_scoped3A : memref<!tpu.dma_semaphore, #tpu.memory_space<semaphore_mem>>)
        %dma_wait3A_900 = tpu.memref_slice %arg4[%mul3A_897] : memref<64xf32, #tpu.memory_space<hbm>> -> memref<16xf32, #tpu.memory_space<hbm>>
        %dma_wait3A_901 = tpu.memref_slice %arg4[%mul3A_897] : memref<64xf32, #tpu.memory_space<hbm>> -> memref<16xf32, #tpu.memory_space<hbm>>
        tpu.wait_dma2 semaphore(%run_scoped3A : memref<!tpu.dma_semaphore, #tpu.memory_space<semaphore_mem>>) src(%arg10 : memref<16xf32, #tpu.memory_space<vmem>>) dst(%dma_wait3A_901 : memref<16xf32, #tpu.memory_space<hbm>>)
        tpu.yield
      }) : () -> ()
    } else {
    }
    return
  }
}

</mosaic_0001>

<sc_bundles>
// kernel: kernel.3.cloned.1.call-start
scs
__scs_entry_jumppad:
0x0: {  	(pc) =	sbr.rel $0x88, $3  }
0x1: {  	(tag) =	ssettag $0x0;
	lr =	simm.s32 $0x1  }
0x2: {  	[smem:$0x3FA0] =	sst lr;
	_ =	strace $0xD0000000  }
0x3: {  	_ = 	snop  }
0x4: {  	_ = 	snop  }
0x5: {  	_ = 	snop  }
0x6: {  	_ = 	snop  }
0x7: {  	_ = 	snop  }
__scs_overlays_trampoline_lowered:
0x8: {  	[smem:$0x3FAF] =	sst s0  }
0x9: {  	[smem:$0x3FB0] =	sst s1  }
0xa: {  	[smem:$0x3FB1] =	sst s2  }
0xb: {  	[smem:$0x3FB2] =	sst s3  }
0xc: {  	[smem:$0x3FB3] =	sst s4  }
0xd: {  	[smem:$0x3FB4] =	sst s5  }
0xe: {  	[smem:$0x3FB5] =	sst s6  }
0xf: {  	[smem:$0x3FB6] =	sst s7  }
0x10: {  	[smem:$0x3FB7] =	sst s8  }
0x11: {  	[smem:$0x3FB8] =	sst s9;
	s0 =	simm.s32 @!p0 $0x0  }
0x12: {  	s1 =	sld [smem:$0x3F9E];
	s0 =	simm.s32 @p0 $0x1  }
0x13: {  	[smem:$0x3FB9] =	sst s0;
	s0 =	simm.s32 @!p1 $0x0  }
0x14: {  	s2 =	sld [smem:$0x3F9D];
	s0 =	simm.s32 @p1 $0x1  }
0x15: {  	[smem:$0x3FBA] =	sst s0;
	s0 =	simm.s32 @!p2 $0x0  }
0x16: {  	s3 =	sld [smem:$0x3FDB];
	s0 =	simm.s32 @p2 $0x1  }
0x17: {  	s4 =	simm.s32 $0x1BF5;
	[smem:$0x3FBC] =	sst s0  }
0x18: {  	s0 =	sld [smem:$0x3F9F];
	_ =	swait.ge [sflag:s4], $0x0  }
0x19: {  	s7 =	sld [smem:$0x3FA0]  }
0x1a: {  	s8 =	sadd.s32 $0xFFFFE003, lr  }
0x1b: {  	s9 =	sadd.s32 $0xFFFFFEF7, lr;
	s5 =	simm.s32 $0xFFFFFFFF;
	p2 =	slt.u32 s8, $0xFFFFF086  }
0x1c: {  	p1 =	slt.u32 s9, $0xF7A;
	s5 =	simm.s32 @!p2 $0x0  }
0x1d: {  	s5 =	simm.s32 @p1 $0x1;
	p0 =	seq.s32 s7, s2  }
0x1e: {  	s7 =	smul.u32 @!p0 $0xF7A, s2;
	p2 =	seq.s32 @!p0 s5, $0x0  }
0x1f: {  	s9 =	smul.u32 $0xF7A, s1;
	s8 =	simm.s32 @!p0 $0x1BF5;
	p2 =	por !p2, p0  }
0x20: {  	[sflag:s8] =	ssyncset.s32 @!p0 $0xFFFFF086;
	s6 =	sadd.s32 @!p0 s3, s7;
	s7 =	simm.s32 @!p0 $0x108  }
0x21: {  	s3 =	sadd.s32 s3, s9;
	s6 =	sadd.s32 @!p0 $0x88, s6;
	s7 =	simm.s32 @p2 $0x1082  }
0x22: {  	[simem:s7], [sflag:s8] =	dma.local @!p0 [hbm:s6], $0xF7A  }
0x23: {  	s9 =	sor.u32 $0xD0000000, s2;
	s6 =	simm.s32 $0x108;
	_ =	swait.ge @!p0 [sflag:s8], $0x0  }
0x24: {  	s3 =	sadd.s32 $0x88, s3;
	s6 =	simm.s32 @!p1 $0x1082;
	[sflag:s4] =	ssyncset.s32 $0xFFFFF086  }
0x25: {  	[simem:s6], [sflag:s4] =	dma.local [hbm:s3], $0xF7A  }
0x26: {  	[smem:$0x3FA0] =	sst s1;
	(tag) =	ssettag s2;
	_ =	strace s9  }
0x27: {  	s1 =	sld [smem:$0x3FB0]  }
0x28: {  	s2 =	sld [smem:$0x3FB1]  }
0x29: {  	s4 =	sld [smem:$0x3FB3]  }
0x2a: {  	p0 =	seq.s32 s5, $0x0;
	s5 =	sld [smem:$0x3FB4]  }
0x2b: {  	s6 =	sld [smem:$0x3FB5]  }
0x2c: {  	s7 =	sld [smem:$0x3FB6]  }
0x2d: {  	s3 =	simm.s32 $0x108;
	s8 =	sld [smem:$0x3FB7]  }
0x2e: {  	s3 =	simm.s32 @!p0 $0x1082;
	s9 =	sld [smem:$0x3FB8]  }
0x2f: {  	lr =	sadd.s32 s0, s3;
	s0 =	sld [smem:$0x3FAF]  }
0x30: {  	s3 =	sld [smem:$0x3FB2]  }
0x31: {  	[smem:$0x3FBB] =	sst s10  }
0x32: {  	s10 =	sld [smem:$0x3FB9];
	_ =	sdelay $0x3  }
0x33: {  	p0 =	seq.s32 s10, $0x1;
	s10 =	sld [smem:$0x3FBB];
	_ =	sdelay $0x3  }
0x34: {  	[smem:$0x3FBB] =	sst s10  }
0x35: {  	s10 =	sld [smem:$0x3FBA];
	_ =	sdelay $0x3  }
0x36: {  	p1 =	seq.s32 s10, $0x1;
	s10 =	sld [smem:$0x3FBB];
	_ =	sdelay $0x3  }
0x37: {  	[smem:$0x3FBB] =	sst s10  }
0x38: {  	s10 =	sld [smem:$0x3FBC]  }
0x39: {  	_ = 	snop;
	(pc) =	sbr.ind lr, $3  }
0x3a: {  	_ = 	snop  }
0x3b: {  	_ = 	snop  }
0x3c: {  	p2 =	seq.s32 s10, $0x1;
	s10 =	sld [smem:$0x3FBB]  }
0x3d: {  	_ =	shalt  }
0x3e: {  	_ =	shalt  }
0x3f: {  	_ =	shalt  }
0x40: {  	_ =	shalt  }
0x41: {  	_ =	shalt  }
0x42: {  	_ =	shalt  }
0x43: {  	_ =	shalt  }
0x44: {  	_ =	shalt  }
0x45: {  	_ =	shalt  }
0x46: {  	_ =	shalt  }
0x47: {  	_ =	shalt  }
0x48: {  	_ =	shalt  }
0x49: {  	_ =	shalt  }
0x4a: {  	_ =	shalt  }
0x4b: {  	_ =	shalt  }
0x4c: {  	_ =	shalt  }
0x4d: {  	_ =	shalt  }
0x4e: {  	_ =	shalt  }
0x4f: {  	_ =	shalt  }
0x50: {  	_ =	shalt  }
0x51: {  	_ =	shalt  }
0x52: {  	_ =	shalt  }
0x53: {  	_ =	shalt  }
0x54: {  	_ =	shalt  }
0x55: {  	_ =	shalt  }
0x56: {  	_ =	shalt  }
0x57: {  	_ =	shalt  }
0x58: {  	_ =	shalt  }
0x59: {  	_ =	shalt  }
0x5a: {  	_ =	shalt  }
0x5b: {  	_ =	shalt  }
0x5c: {  	_ =	shalt  }
0x5d: {  	_ =	shalt  }
0x5e: {  	_ =	shalt  }
0x5f: {  	_ =	shalt  }
0x60: {  	_ =	shalt  }
0x61: {  	_ =	shalt  }
0x62: {  	_ =	shalt  }
0x63: {  	_ =	shalt  }
0x64: {  	_ =	shalt  }
0x65: {  	_ =	shalt  }
0x66: {  	_ =	shalt  }
0x67: {  	_ =	shalt  }
0x68: {  	_ =	shalt  }
0x69: {  	_ =	shalt  }
0x6a: {  	_ =	shalt  }
0x6b: {  	_ =	shalt  }
0x6c: {  	_ =	shalt  }
0x6d: {  	_ =	shalt  }
0x6e: {  	_ =	shalt  }
0x6f: {  	_ =	shalt  }
0x70: {  	_ =	shalt  }
0x71: {  	_ =	shalt  }
0x72: {  	_ =	shalt  }
0x73: {  	_ =	shalt  }
0x74: {  	_ =	shalt  }
0x75: {  	_ =	shalt  }
0x76: {  	_ =	shalt  }
0x77: {  	_ =	shalt  }
0x78: {  	_ =	shalt  }
0x79: {  	_ =	shalt  }
0x7a: {  	_ =	shalt  }
0x7b: {  	_ =	shalt  }
0x7c: {  	_ =	shalt  }
0x7d: {  	_ =	shalt  }
0x7e: {  	_ =	shalt  }
0x7f: {  	_ =	shalt  }
0x80: {  	_ =	shalt  }
0x81: {  	_ =	shalt  }
0x82: {  	_ =	shalt  }
0x83: {  	_ =	shalt  }
0x84: {  	_ =	shalt  }
0x85: {  	_ =	shalt  }
0x86: {  	_ =	shalt  }
0x87: {  	_ =	shalt  }
.Lfunc_end0:
.L_simem_size_0:
called_computation_lowered:
.L_overlay_start_0:
0x88: {  	s0 =	sld [smem:$0x3FD9]  }
0x89: {  	s1 =	sld [smem:$0x3FFE];
	_ =	sdelay $0x3  }
0x8a: {  	s0 =	sadd.s32 s1, s0  }
0x8b: {  	[smem:$0x3FC7] =	sst s0  }
0x8c: {  	_ = 	snop  }
0x8d: {  	s0 =	sld [smem:$0x3FD0];
	(tm) =	ssettm $0x1  }
0x8e: {  	s16 =	sld [smem:$0x3FFB];
	_ =	sdelay $0x3  }
0x8f: {  	_ =	strace s16  }
0x90: {  	s1 =	sld [smem:$0x3FFC];
	_ =	sdelay $0x3  }
0x91: {  	_ =	strace s1  }
0x92: {  	s1 =	sld [smem:$0x3FFD];
	_ =	sdelay $0x3  }
0x93: {  	_ =	strace s1  }
0x94: {  	_ =	strace $0x8FFFFFFF  }
0x95: {  	s17 =	sld [smem:$0x3FDB];
	_ =	sdelay $0x1  }
0x96: {  	s2 =	simm.s32 $_scs_section_size  }
0x97: {  	s3 =	simm.s32 $_size__tile_overlayer_lowered;
	s4 =	simm.s32 $_tile_overlayer_lowered  }
0x98: {  	s20 =	simm.s32 $0x1BFF;
	s19 =	sshll.u32 s4, $0x1;
	s1 =	sadd.s32 s2, s17  }
0x99: {  	s5 =	simm.s32 $0x0;
	s18 =	sshll.u32 s3, $0x1;
	s3 =	sadd.s32 s19, s1  }
0x9a: {  	[timem:s5], [sflag:s20] =	dma.local [hbm:s3], s18  }
0x9b: {  	_ =	swait.ge [sflag:s20], s18  }
0x9c: {  	s2 =	ssub.s32 $0x0, s18;
	[sflag:s20] =	ssyncset.done $0x0  }
0x9d: {  	[sflag:s20] =	ssyncadd.s32 s2;
	_ =	sdelay $0x1  }
0x9e: {  	s21 =	simm.s32 $0x1B8B  }
0x9f: {  	_ =	swait.ge [sflag:s21], $0x1  }
0xa0: {  	[sflag:s21] =	ssyncset.done $0x0  }
0xa1: {  	s23 =	simm.s32 $0x1B8E;
	s22 =	sld [smem:$0x3FFE];
	[sflag:s21] =	ssyncadd.s32 $0xFFFFFFFF  }
0xa2: {  	s24 =	simm.s32 $execute0_lowered;
	[smem:$0x3FD2] =	sst s23  }
0xa3: {  	s3 =	sshll.u32 s24, $0x1;
	_ =	strace $0x80000046;
	[dreg:$0x1] =	wrdreg $0xFFFFFFFF  }
0xa4: {  	s25 =	simm.s32 $_size_execute0_lowered;
	s1 =	sadd.s32 s1, s3;
	[dreg:$0x0] =	wrdreg $0x0  }
0xa5: {  	s3 =	sshll.u32 s25, $0x1;
	[dreg:$0x2] =	wrdreg s1  }
0xa6: {  	[dreg:$0x3] =	wrdreg s3  }
0xa7: {  	[dreg:$0x4] =	wrdreg $0xC0  }
0xa8: {  	_ =	task [dreg:s5], $0x5FFFF  }
0xa9: {  	[dreg:$0x1] =	wrdreg $0xFFFFFFFF  }
0xaa: {  	[dreg:$0x0] =	wrdreg $0x60  }
0xab: {  	[dreg:$0x2] =	wrdreg s22  }
0xac: {  	[dreg:$0x3] =	wrdreg s0  }
0xad: {  	[dreg:$0x4] =	wrdreg $0x43000  }
0xae: {  	[dreg:$0x5] =	wrdreg $0x9  }
0xaf: {  	_ =	task.clear_ibuf [dreg:s5], $0x6FFFF;
	_ =	strace $0x90000046  }
0xb0: {  	s26 =	simm.s32 $0x9;
	_ =	strace $0x80000048  }
0xb1: {  	_ =	swait.ge [sflag:s26], $0x1  }
0xb2: {  	[sflag:s26] =	ssyncadd.s32 $0xFFFFFFFF  }
0xb3: {  	_ =	strace $0x90000048  }
0xb4: {  	_ =	sfence  }
0xb5: {  	s28 =	sld [smem:$0x0];
	_ =	sdelay $0x1  }
0xb6: {  	s29 =	srdreg.scid  }
0xb7: {  	s30 =	sshll.u32 s29, $0xD;
	s31 =	sshrl.u32 s29, $0x2  }
0xb8: {  	s2 =	sand.u32 $0x4000, s30;
	s1 =	sand.u32 $0x1, s29;
	s0 =	sadd.s32 s31, s28  }
0xb9: {  	s1 =	sor.u32 s2, s1;
	s0 =	sshll.u32 s0, $0x11  }
0xba: {  	s0 =	sor.u32 s0, s1  }
0xbb: {  	s0 =	sadd.s32 $0x8F2B, s0  }
0xbc: {  	[sflag:s0] =	ssyncadd.remote.s32 $0x1  }
0xbd: {  	_ =	sfence.sel $0xFFFF  }
0xbe: {  	[dreg:$0x0] =	wrdreg $0xFFFFFFFF;
	(pc) =	sbr.abs _section_cstart, $3  }
0xbf: {  	[dreg:$0x1] =	wrdreg $0xFFFFFFFF  }
0xc0: {  	_ =	task.clear_ibuf [dreg:s5], $0x2FFFF;
	_ =	strace $0x9FFFFFFF  }
0xc1: {  	(tm) =	ssettm $0x7FFFFFFF  }
tec
execute0_lowered:
.L_overlay_start_1:
0x0: {  	(tag) =	ssettag $0x1  }
0x1: {  	s4 =	rddreg [dreg:$0x0]  }
0x2: {  	s2 =	rddreg [dreg:$0x1]  }
0x3: {  	s3 =	rddreg [dreg:$0x2]  }
0x4: {  	s0 =	rddreg [dreg:$0x3];
	s5 =	simm.s32 $0x0;
	s1 =	stileid.u32  }
0x5: {  	[smem:$0x7FF] =	sst s5;
	s6 =	sshll.u32 s1, $0xB  }
0x6: {  	_ =	strace $0x80000047;
	s6 =	sadd.s32 s6, s4;
	s4 =	sadd.s32 $0x8600, s4  }
0x7: {  	[tilespmem:s5], [sflag:$0x1] =	stream.linear.gather [hbm4b:s4+s5], $0x280, $0x38;
	[tilespmem:$0x4410] =	vst v63  }
0x8: {  	s17 =	simm.s32 $0x280;
	s7 =	sadd.s32 $0x600, s6  }
0x9: {  	[tilespmem:s17], [sflag:$0x2] =	stream.linear.gather [hbm4b:s7+s5], $0x1000, $0x38;
	[tilespmem:$0x4410] =	vst v63  }
0xa: {  	s8 =	simm.s32 $0x1280;
	s18 =	sadd.s32 $0x800, s6  }
0xb: {  	[tilespmem:s8], [sflag:$0x3] =	stream.linear.gather [hbm4b:s18+s5], $0x1000, $0x38;
	[tilespmem:$0x4410] =	vst v63  }
0xc: {  	s20 =	simm.s32 $0x2280;
	s19 =	sadd.s32 $0xA00, s6  }
0xd: {  	[tilespmem:s20], [sflag:$0x4] =	stream.linear.gather [hbm4b:s19+s5], $0x1000, $0x38;
	[tilespmem:$0x4410] =	vst v63  }
0xe: {  	s21 =	simm.s32 $0x3280;
	s22 =	simm.s32 $0x1;
	s6 =	sadd.s32 $0xC00, s6  }
0xf: {  	[tilespmem:s21], [sflag:$0x5] =	stream.linear.gather [hbm4b:s6+s5], $0x1000, $0x38;
	[tilespmem:$0x4410] =	vst v63  }
0x10: {  	_ =	swait.ge [sflag:s22], $0x280  }
0x11: {  	[sflag:s22] =	ssyncset.done $0x0  }
0x12: {  	s23 =	simm.s32 $0x2;
	[sflag:s22] =	ssyncadd.s32 $0xFFFFFD80  }
0x13: {  	_ =	swait.ge [sflag:s23], $0x1000  }
0x14: {  	[sflag:s23] =	ssyncset.done $0x0  }
0x15: {  	[sflag:s23] =	ssyncadd.s32 $0xFFFFF000  }
0x16: {  	v43 =	vld [tilespmem:$0x0]  }
0x17: {  	v42 =	vld [tilespmem:$0x10]  }
0x18: {  	v39 =	vld [tilespmem:$0x20]  }
0x19: {  	v32 =	vld [tilespmem:$0x110]  }
0x1a: {  	v38 =	vld [tilespmem:$0x30]  }
0x1b: {  	v28 =	vld [tilespmem:$0x120]  }
0x1c: {  	v36 =	vld [tilespmem:$0x40]  }
0x1d: {  	v27 =	vld [tilespmem:$0x130]  }
0x1e: {  	v34 =	vld [tilespmem:$0x50]  }
0x1f: {  	v24 =	vld [tilespmem:$0x140]  }
0x20: {  	v33 =	vld [tilespmem:$0x60]  }
0x21: {  	v20 =	vld [tilespmem:$0x150]  }
0x22: {  	v30 =	vld [tilespmem:$0x70]  }
0x23: {  	v17 =	vld [tilespmem:$0x160]  }
0x24: {  	v26 =	vld [tilespmem:$0x80]  }
0x25: {  	v15 =	vld [tilespmem:$0x170]  }
0x26: {  	v22 =	vld [tilespmem:$0x90]  }
0x27: {  	v13 =	vld [tilespmem:$0x180]  }
0x28: {  	v21 =	vld [tilespmem:$0xA0]  }
0x29: {  	v11 =	vld [tilespmem:$0x190]  }
0x2a: {  	v18 =	vld [tilespmem:$0xB0]  }
0x2b: {  	v9 =	vld [tilespmem:$0x1A0]  }
0x2c: {  	v7 =	vld [tilespmem:$0x1B0]  }
0x2d: {  	v16 =	vld [tilespmem:$0xC0]  }
0x2e: {  	v23 =	vld [tilespmem:$0x1C0]  }
0x2f: {  	v14 =	vld [tilespmem:$0xD0]  }
0x30: {  	v12 =	vld [tilespmem:$0xE0]  }
0x31: {  	v31 =	vld [tilespmem:$0x1D0]  }
0x32: {  	v10 =	vld [tilespmem:$0xF0]  }
0x33: {  	v8 =	vld [tilespmem:$0x100]  }
0x34: {  	v37 =	vld [tilespmem:$0x1E0]  }
0x35: {  	v41 =	vld [tilespmem:$0x1F0]  }
0x36: {  	v47 =	vld [tilespmem:$0x200]  }
0x37: {  	v48 =	vld [tilespmem:$0x210]  }
0x38: {  	v45 =	vld.idx.msk [tilespmem:v43+s17+$0x0], $0xffff  }
0x39: {  	v46 =	vld.idx.msk [tilespmem:v42+s17+$0x0], $0xffff  }
0x3a: {  	v0 =	vld.idx.msk [tilespmem:v26+s17+$0x0], $0xffff  }
0x3b: {  	v53 =	vld.idx.msk [tilespmem:v22+s17+$0x0], $0xffff  }
0x3c: {  	v56 =	vld.idx.msk [tilespmem:v21+s17+$0x0], $0xffff  }
0x3d: {  	v58 =	vld.idx.msk [tilespmem:v18+s17+$0x0], $0xffff  }
0x3e: {  	v59 =	vld.idx.msk [tilespmem:v16+s17+$0x0], $0xffff  }
0x3f: {  	v60 =	vld.idx.msk [tilespmem:v14+s17+$0x0], $0xffff;
	[tilespmem:$0x1FF00] =	vst v0  }
0x40: {  	v61 =	vld.idx.msk [tilespmem:v12+s17+$0x0], $0xffff;
	[tilespmem:$0x1FF10] =	vst v53  }
0x41: {  	v62 =	vld.idx.msk [tilespmem:v10+s17+$0x0], $0xffff;
	[tilespmem:$0x1FF20] =	vst v56  }
0x42: {  	v63 =	vld.idx.msk [tilespmem:v8+s17+$0x0], $0xffff;
	[tilespmem:$0x1FF30] =	vst v58  }
0x43: {  	v49 =	vld.idx.msk [tilespmem:v39+s17+$0x0], $0xffff;
	[tilespmem:$0x1FF40] =	vst v59  }
0x44: {  	v51 =	vld.idx.msk [tilespmem:v38+s17+$0x0], $0xffff;
	[tilespmem:$0x1FF60] =	vst v60  }
0x45: {  	v52 =	vld.idx.msk [tilespmem:v36+s17+$0x0], $0xffff;
	[tilespmem:$0x1FF80] =	vst v61  }
0x46: {  	v19 =	vadd.s32 $0x1000, v43;
	v54 =	vld.idx.msk [tilespmem:v34+s17+$0x0], $0xffff;
	[tilespmem:$0x1FF90] =	vst v62  }
0x47: {  	s24 =	simm.s32 $0x3;
	v29 =	vadd.s32 $0x1000, v39;
	v55 =	vld.idx.msk [tilespmem:v33+s17+$0x0], $0xffff;
	[tilespmem:$0x1FFE0] =	vst v63  }
0x48: {  	v35 =	vadd.s32 $0x1000, v38;
	v57 =	vld.idx.msk [tilespmem:v30+s17+$0x0], $0xffff;
	_ =	swait.ge [sflag:s24], $0x1000  }
0x49: {  	v40 =	vadd.s32 $0x1000, v36;
	[sflag:s24] =	ssyncset.done $0x0  }
0x4a: {  	v1 =	vadd.s32 $0x1000, v34;
	[sflag:s24] =	ssyncadd.s32 $0xFFFFF000  }
0x4b: {  	v2 =	vadd.s32 $0x1000, v33;
	v58 =	vld.idx.msk [tilespmem:v19+s17+$0x0], $0xffff  }
0x4c: {  	v4 =	vadd.s32 $0x1000, v26;
	v60 =	vld.idx.msk [tilespmem:v29+s17+$0x0], $0xffff  }
0x4d: {  	v5 =	vadd.s32 $0x1000, v22;
	v61 =	vld.idx.msk [tilespmem:v35+s17+$0x0], $0xffff  }
0x4e: {  	v6 =	vadd.s32 $0x1000, v21;
	v62 =	vld.idx.msk [tilespmem:v40+s17+$0x0], $0xffff  }
0x4f: {  	v63 =	vld.idx.msk [tilespmem:v1+s17+$0x0], $0xffff;
	v29 =	vadd.s32 $0x1000, v16  }
0x50: {  	v50 =	vld.idx.msk [tilespmem:v2+s17+$0x0], $0xffff;
	v35 =	vadd.s32 $0x1000, v14  }
0x51: {  	v56 =	vld.idx.msk [tilespmem:v4+s17+$0x0], $0xffff;
	v1 =	vadd.s32 $0x1000, v12  }
0x52: {  	v40 =	vld.idx.msk [tilespmem:v5+s17+$0x0], $0xffff;
	v5 =	vadd.s32 $0x1000, v10  }
0x53: {  	v4 =	vld.idx.msk [tilespmem:v6+s17+$0x0], $0xffff;
	v6 =	vadd.s32 $0x1000, v8  }
0x54: {  	v25 =	vadd.s32 $0x1000, v42;
	v2 =	vld.idx.msk [tilespmem:v29+s17+$0x0], $0xffff  }
0x55: {  	v19 =	vld.idx.msk [tilespmem:v35+s17+$0x0], $0xffff  }
0x56: {  	v1 =	vld.idx.msk [tilespmem:v1+s17+$0x0], $0xffff  }
0x57: {  	[tilespmem:$0x1FF50] =	vst v40;
	v29 =	vld.idx.msk [tilespmem:v5+s17+$0x0], $0xffff  }
0x58: {  	v3 =	vadd.s32 $0x1000, v30;
	[tilespmem:$0x1FF70] =	vst v4;
	v0 =	vld.idx.msk [tilespmem:v6+s17+$0x0], $0xffff  }
0x59: {  	v44 =	vadd.s32 $0x1000, v18;
	v59 =	vld.idx.msk [tilespmem:v25+s17+$0x0], $0xffff;
	[tilespmem:$0x1FFA0] =	vst v2  }
0x5a: {  	[tilespmem:$0x1FFB0] =	vst v19  }
0x5b: {  	v45 =	vmul.f32 v45, v32;
	[tilespmem:$0x1FFC0] =	vst v1  }
0x5c: {  	v35 =	vadd.s32 $0x2000, v43;
	v58 =	vmul.f32 v58, v32;
	[tilespmem:$0x1FFD0] =	vst v29  }
0x5d: {  	s25 =	simm.s32 $0x4;
	v46 =	vmul.f32 v46, v28;
	v45 =	vadd.f32 $0.0e+00, v45;
	v53 =	vld.idx.msk [tilespmem:v3+s17+$0x0], $0xffff;
	v40 =	vadd.s32 $0x2000, v42;
	[tilespmem:$0x1FFF0] =	vst v0  }
0x5e: {  	v44 =	vld.idx.msk [tilespmem:v44+s17+$0x0], $0xffff;
	v3 =	vadd.s32 $0x2000, v39;
	v59 =	vmul.f32 v59, v28;
	v58 =	vadd.f32 $0.0e+00, v58;
	_ =	swait.ge [sflag:s25], $0x1000  }
0x5f: {  	v45 =	vadd.f32 v46, v45;
	v29 =	vmul.f32 v49, v27;
	v49 =	vadd.s32 $0x2000, v30;
	[sflag:s25] =	ssyncset.done $0x0  }
0x60: {  	v4 =	vadd.s32 $0x2000, v36;
	v58 =	vadd.f32 v59, v58;
	v59 =	vmul.f32 v60, v27;
	v60 =	vld [tilespmem:$0x1FF00];
	[sflag:s25] =	ssyncadd.s32 $0xFFFFF000  }
0x61: {  	v2 =	vadd.s32 $0x2000, v26;
	v45 =	vadd.f32 v29, v45;
	v5 =	vld.idx.msk [tilespmem:v35+s17+$0x0], $0xffff;
	v35 =	vmul.f32 v51, v24  }
0x62: {  	v25 =	vadd.s32 $0x2000, v34;
	v6 =	vld.idx.msk [tilespmem:v40+s17+$0x0], $0xffff  }
0x63: {  	v19 =	vadd.s32 $0x2000, v38;
	v3 =	vld.idx.msk [tilespmem:v3+s17+$0x0], $0xffff;
	v40 =	vmul.f32 v52, v20;
	v45 =	vadd.f32 v35, v45  }
0x64: {  	v35 =	vld.idx.msk [tilespmem:v49+s17+$0x0], $0xffff;
	v49 =	vadd.s32 $0x2000, v16  }
0x65: {  	v46 =	vmul.f32 v54, v17;
	v54 =	vadd.s32 $0x2000, v14;
	v4 =	vld.idx.msk [tilespmem:v4+s17+$0x0], $0xffff;
	v45 =	vadd.f32 v40, v45  }
0x66: {  	v40 =	vld.idx.msk [tilespmem:v2+s17+$0x0], $0xffff;
	v2 =	vadd.s32 $0x2000, v12  }
0x67: {  	v25 =	vld.idx.msk [tilespmem:v25+s17+$0x0], $0xffff;
	v45 =	vadd.f32 v46, v45;
	v46 =	vmul.f32 v55, v15  }
0x68: {  	v0 =	vadd.s32 $0x2000, v33;
	v19 =	vld.idx.msk [tilespmem:v19+s17+$0x0], $0xffff  }
0x69: {  	v1 =	vadd.s32 $0x2000, v21;
	v45 =	vadd.f32 v46, v45;
	v46 =	vmul.f32 v57, v13;
	v57 =	vld.idx.msk [tilespmem:v49+s17+$0x0], $0xffff  }
0x6a: {  	v51 =	vadd.s32 $0x2000, v22;
	v49 =	vld.idx.msk [tilespmem:v54+s17+$0x0], $0xffff  }
0x6b: {  	v52 =	vadd.s32 $0x2000, v18;
	v54 =	vadd.f32 v46, v45;
	v46 =	vld.idx.msk [tilespmem:v2+s17+$0x0], $0xffff  }
0x6c: {  	v55 =	vadd.s32 $0x2000, v10;
	v2 =	vadd.f32 v59, v58;
	v59 =	vld [tilespmem:$0x1FF10]  }
0x6d: {  	v29 =	vld.idx.msk [tilespmem:v0+s17+$0x0], $0xffff;
	v0 =	vadd.s32 $0x2000, v8  }
0x6e: {  	v1 =	vld.idx.msk [tilespmem:v1+s17+$0x0], $0xffff  }
0x6f: {  	v60 =	vmul.f32 v60, v11;
	v51 =	vld.idx.msk [tilespmem:v51+s17+$0x0], $0xffff  }
0x70: {  	v52 =	vld.idx.msk [tilespmem:v52+s17+$0x0], $0xffff  }
0x71: {  	s26 =	simm.s32 $0x5;
	v61 =	vmul.f32 v61, v24;
	v45 =	vld.idx.msk [tilespmem:v55+s17+$0x0], $0xffff;
	v54 =	vadd.f32 v60, v54;
	v60 =	vmul.f32 v59, v9  }
0x72: {  	v55 =	vadd.s32 $0x3000, v43;
	v43 =	vld.idx.msk [tilespmem:v0+s17+$0x0], $0xffff;
	_ =	swait.ge [sflag:s26], $0x1000  }
0x73: {  	v62 =	vmul.f32 v62, v20;
	v61 =	vadd.f32 v61, v2;
	v54 =	vadd.f32 v60, v54;
	v60 =	vld [tilespmem:$0x1FF20];
	_ =	sdelay $0x1  }
0x74: {  	v42 =	vadd.s32 $0x3000, v42;
	v0 =	vadd.f32 v62, v61;
	v61 =	vmul.f32 v63, v17;
	v63 =	vld [tilespmem:$0x1FF30]  }
0x75: {  	v39 =	vadd.s32 $0x3000, v39;
	[sflag:s26] =	ssyncset.done $0x0  }
0x76: {  	v14 =	vadd.s32 $0x3000, v14;
	v53 =	vmul.f32 v53, v13;
	v5 =	vmul.f32 v5, v32;
	[sflag:s26] =	ssyncadd.s32 $0xFFFFF000  }
0x77: {  	v36 =	vadd.s32 $0x3000, v36;
	v38 =	vadd.s32 $0x3000, v38;
	v55 =	vld.idx.msk [tilespmem:v55+s17+$0x0], $0xffff;
	v58 =	vmul.f32 v60, v7  }
0x78: {  	v22 =	vadd.s32 $0x3000, v22;
	v6 =	vmul.f32 v6, v28;
	v5 =	vadd.f32 $0.0e+00, v5  }
0x79: {  	v62 =	vmul.f32 v50, v15;
	v42 =	vld.idx.msk [tilespmem:v42+s17+$0x0], $0xffff;
	v50 =	vmul.f32 v63, v23;
	v54 =	vadd.f32 v58, v54  }
0x7a: {  	v33 =	vadd.s32 $0x3000, v33;
	v26 =	vadd.s32 $0x3000, v26;
	v18 =	vadd.s32 $0x3000, v18  }
0x7b: {  	v3 =	vmul.f32 v3, v27;
	v5 =	vadd.f32 v6, v5;
	v50 =	vadd.f32 v50, v54;
	v54 =	vld.idx.msk [tilespmem:v39+s17+$0x0], $0xffff  }
0x7c: {  	v8 =	vadd.s32 $0x3000, v8;
	v59 =	vadd.s32 $0x3000, v34;
	v58 =	vmul.f32 v55, v32  }
0x7d: {  	v19 =	vmul.f32 v19, v24;
	v3 =	vadd.f32 v3, v5;
	v0 =	vadd.f32 v61, v0;
	v61 =	vld.idx.msk [tilespmem:v38+s17+$0x0], $0xffff  }
0x7e: {  	v16 =	vadd.s32 $0x3000, v16;
	v22 =	vld.idx.msk [tilespmem:v22+s17+$0x0], $0xffff;
	v28 =	vmul.f32 v42, v28;
	v2 =	vadd.f32 $0.0e+00, v58  }
0x7f: {  	v4 =	vmul.f32 v4, v20;
	v3 =	vadd.f32 v19, v3;
	v0 =	vadd.f32 v62, v0;
	v62 =	vld.idx.msk [tilespmem:v36+s17+$0x0], $0xffff  }
0x80: {  	v63 =	vadd.s32 $0x3000, v30;
	v30 =	vld [tilespmem:$0x1FF40];
	v2 =	vadd.f32 v28, v2;
	v6 =	vmul.f32 v54, v27  }
0x81: {  	v1 =	vmul.f32 v1, v7;
	v3 =	vadd.f32 v4, v3;
	v34 =	vmul.f32 v52, v23;
	v38 =	vld.idx.msk [tilespmem:v59+s17+$0x0], $0xffff  }
0x82: {  	v52 =	vld [tilespmem:$0x1FFE0];
	v42 =	vmul.f32 v25, v17;
	v39 =	vmul.f32 v61, v24;
	v2 =	vadd.f32 v6, v2  }
0x83: {  	v0 =	vadd.f32 v53, v0;
	v53 =	vld.idx.msk [tilespmem:v33+s17+$0x0], $0xffff;
	v59 =	vadd.s32 $0x3000, v21;
	v60 =	vmul.f32 v56, v11  }
0x84: {  	v21 =	vmul.f32 v35, v13;
	v5 =	vmul.f32 v62, v20;
	v54 =	vld [tilespmem:$0x1FF60];
	v2 =	vadd.f32 v39, v2  }
0x85: {  	v3 =	vadd.f32 v42, v3;
	v42 =	vmul.f32 v49, v37;
	v0 =	vadd.f32 v60, v0;
	v19 =	vld.idx.msk [tilespmem:v63+s17+$0x0], $0xffff  }
0x86: {  	v36 =	vld [tilespmem:$0x1FF50];
	v4 =	vmul.f32 v30, v31;
	v56 =	vmul.f32 v38, v17;
	v2 =	vadd.f32 v5, v2  }
0x87: {  	v63 =	vmul.f32 v44, v23;
	v32 =	vadd.s32 $0x3000, v10;
	v58 =	vmul.f32 v29, v15;
	v61 =	vld.idx.msk [tilespmem:v26+s17+$0x0], $0xffff  }
0x88: {  	v35 =	vld.idx.msk [tilespmem:v14+s17+$0x0], $0xffff;
	v10 =	vmul.f32 v52, v48;
	v60 =	vmul.f32 v53, v15;
	v2 =	vadd.f32 v56, v2  }
0x89: {  	v55 =	vld [tilespmem:$0x1FF70];
	v4 =	vadd.f32 v4, v50;
	v3 =	vadd.f32 v58, v3;
	v6 =	vmul.f32 v54, v37  }
0x8a: {  	v62 =	vld [tilespmem:$0x1FF80];
	v24 =	vmul.f32 v40, v11;
	v13 =	vmul.f32 v19, v13;
	v2 =	vadd.f32 v60, v2  }
0x8b: {  	v3 =	vadd.f32 v21, v3;
	v27 =	vmul.f32 v36, v9;
	v4 =	vadd.f32 v6, v4;
	v6 =	vld.idx.msk [tilespmem:v59+s17+$0x0], $0xffff  }
0x8c: {  	v26 =	vld [tilespmem:$0x1FFA0];
	v29 =	vadd.s32 $0x3000, v12;
	v11 =	vmul.f32 v61, v11;
	v2 =	vadd.f32 v13, v2  }
0x8d: {  	v28 =	vld.idx.msk [tilespmem:v18+s17+$0x0], $0xffff;
	v3 =	vadd.f32 v24, v3;
	v0 =	vadd.f32 v27, v0;
	v27 =	vmul.f32 v51, v9  }
0x8e: {  	v30 =	vld.idx.msk [tilespmem:v16+s17+$0x0], $0xffff;
	v20 =	vmul.f32 v55, v7;
	v9 =	vmul.f32 v22, v9;
	v2 =	vadd.f32 v11, v2  }
0x8f: {  	v33 =	vld [tilespmem:$0x1FFB0];
	v38 =	vmul.f32 v57, v31;
	v49 =	vmul.f32 v35, v37;
	v3 =	vadd.f32 v27, v3  }
0x90: {  	v25 =	vld [tilespmem:$0x1FF90];
	v0 =	vadd.f32 v20, v0;
	v6 =	vmul.f32 v6, v7;
	v2 =	vadd.f32 v9, v2  }
0x91: {  	v40 =	vld [tilespmem:$0x1FFC0];
	v17 =	vmul.f32 v62, v41;
	v15 =	vmul.f32 v26, v31;
	v1 =	vadd.f32 v1, v3  }
0x92: {  	v36 =	vmul.f32 v28, v23;
	v39 =	vld.idx.msk [tilespmem:v29+s17+$0x0], $0xffff;
	v0 =	vadd.f32 v63, v0;
	v2 =	vadd.f32 v6, v2  }
0x93: {  	v50 =	vld [tilespmem:$0x1FFD0];
	v51 =	vmul.f32 v46, v41;
	v5 =	vmul.f32 v30, v31;
	v1 =	vadd.f32 v34, v1  }
0x94: {  	v44 =	vld.idx.msk [tilespmem:v32+s17+$0x0], $0xffff;
	v0 =	vadd.f32 v15, v0;
	v9 =	vmul.f32 v33, v37;
	v2 =	vadd.f32 v36, v2  }
0x95: {  	v55 =	vld [tilespmem:$0x1FFF0];
	v54 =	vmul.f32 v45, v47;
	v4 =	vadd.f32 v17, v4;
	v1 =	vadd.f32 v38, v1  }
0x96: {  	v11 =	vmul.f32 v40, v41;
	v0 =	vadd.f32 v9, v0;
	v2 =	vadd.f32 v5, v2  }
0x97: {  	v8 =	vld.idx.msk [tilespmem:v8+s17+$0x0], $0xffff;
	v53 =	vmul.f32 v39, v41;
	v13 =	vmul.f32 v25, v47;
	v1 =	vadd.f32 v42, v1  }
0x98: {  	v7 =	vmul.f32 v50, v47;
	v0 =	vadd.f32 v11, v0;
	v2 =	vadd.f32 v49, v2  }
0x99: {  	v56 =	vmul.f32 v44, v47;
	v4 =	vadd.f32 v13, v4;
	v1 =	vadd.f32 v51, v1  }
0x9a: {  	v0 =	vadd.f32 v7, v0;
	v7 =	vmul.f32 v55, v48;
	v2 =	vadd.f32 v53, v2  }
0x9b: {  	v57 =	vmul.f32 v43, v48;
	v4 =	vadd.f32 v10, v4;
	v1 =	vadd.f32 v54, v1  }
0x9c: {  	v58 =	vmul.f32 v8, v48;
	v0 =	vadd.f32 v7, v0;
	v2 =	vadd.f32 v56, v2  }
0x9d: {  	v1 =	vadd.f32 v57, v1;
	(xrf2) =	vadd.scan.msk.f32 $0xffff, v4  }
0x9e: {  	(xrf2) =	vadd.scan.msk.f32 $0xffff, v0;
	v2 =	vadd.f32 v58, v2  }
0x9f: {  	(xrf2) =	vadd.scan.msk.f32 $0xffff, v1  }
0xa0: {  	(xrf2) =	vadd.scan.msk.f32 $0xffff, v2;
	_ =	sdelay $0x6  }
0xa1: {  	v59, _, _ =	vpop (xrf2)  }
0xa2: {  	v0 =	vbroadcast v59, $0xF;
	v60, _, _ =	vpop (xrf2)  }
0xa3: {  	vm0 =	vmmov $0x1;
	v61, _, _ =	vpop (xrf2);
	v1 =	vbroadcast v60, $0xF  }
0xa4: {  	vm13 =	vcmask $0x310;
	v0 =	vnsel vm0, $0x0, v0;
	v2 =	vbroadcast v61, $0xF;
	v62, _, _ =	vpop (xrf2)  }
0xa5: {  	vm14 =	vcmask $0x710;
	v0 =	vsel vm13, v0, v1;
	v63 =	vbroadcast v62, $0xF  }
0xa6: {  	vm15 =	vcmask $0xB10;
	v0 =	vsel vm14, v0, v2  }
0xa7: {  	s28 =	sshll.u32 s1, $0x4;
	v0 =	vsel vm15, v0, v63  }
0xa8: {  	s29 =	simm.s32 $0x4280;
	s30 =	simm.s32 $0x6;
	s3 =	sadd.s32 s28, s3;
	[tilespmem:$0x4280] =	vst v0  }
0xa9: {  	[spmem:s3] =	stream.linear.scatter [tilespmem:s29], [sflag:$0x6], $0x10, $0x38;
	[tilespmem:$0x4410] =	vst v63  }
0xaa: {  	_ =	swait.ge [sflag:s30], $0x10  }
0xab: {  	s31 =	sand.u32 $0x3, s1;
	[sflag:s30] =	ssyncset.done $0x0  }
0xac: {  	p0 =	sne.s32 s31, $0x0;
	[sflag:s30] =	ssyncadd.s32 $0xFFFFFFF0  }
0xad: {  	s4 =	simm.s32 @!p0 $0x4310;
	[bflag:$0x0] =	sbarrier.arrive $0xFFFF  }
0xae: {  	[tilespmem:s4], [sflag:$0x6] =	stream.linear.gather @!p0 [spmem:s3], $0x40, $0x38;
	[tilespmem:$0x4410] =	vst v63  }
0xaf: {  	s3 =	simm.s32 @!p0 $0x6  }
0xb0: {  	_ =	swait.ge @!p0 [sflag:s3], $0x40  }
0xb1: {  	[sflag:s3] =	ssyncset.done @!p0 $0x0  }
0xb2: {  	[sflag:s3] =	ssyncadd.s32 @!p0 $0xFFFFFFC0  }
0xb3: {  	v0 =	vld @!p0 [tilespmem:$0x220];
	_ =	sdelay $0x7  }
0xb4: {  	v0 =	vld.idx.msk @!p0 [tilespmem:v0+s4+$0x0], $0xffff;
	_ =	sdelay $0x3  }
0xb5: {  	s4 =	sshrl.u32 @!p0 s1, $0x1  }
0xb6: {  	s5 =	simm.s32 @!p0 $0x4390;
	s2 =	sadd.s32 @!p0 s2, s4;
	s4 =	simm.s32 @!p0 $0x0;
	[tilespmem:$0x4390] =	vst @!p0 v0  }
0xb7: {  	[hbm4b:s2+s4] =	stream.linear.scatter @!p0 [tilespmem:s5], [sflag:$0x6], $0x10, $0x38;
	[tilespmem:$0x4410] =	vst v63  }
0xb8: {  	_ =	swait.ge @!p0 [sflag:s3], $0x10  }
0xb9: {  	[sflag:s3] =	ssyncset.done @!p0 $0x0  }
0xba: {  	[sflag:s3] =	ssyncadd.s32 @!p0 $0xFFFFFFF0  }
0xbb: {  	_ =	sfence.sel $0x180000  }
0xbc: {  	[bflag:$0x0] =	sbarrier.arrive $0xFFFF  }
0xbd: {  	p0 =	sne.s32 s1, $0x0;
	_ =	strace $0x90000047  }
0xbe: {  	s0 =	sadd.s32 @!p0 $0x100000, s0;
	[bflag:$0x2] =	sbarrier.arrive $0xFFFF  }
0xbf: {  	[sflag:s0] =	ssyncadd.tile.s32 @!p0 $0x1;
	_ =	shalt  }
.Lfunc_end2:
_tile_overlayer_lowered:
.L_overlay_start_2:
0xc0: {  	(tag) =	ssettag $0x2  }
0xc1: {  	s0 =	rddreg [dreg:$0x0];
	s2 =	stileid.u32  }
0xc2: {  	s1 =	rddreg [dreg:$0x1];
	p0 =	sne.s32 s2, $0x0  }
0xc3: {  	s3 =	rddreg [dreg:$0x2];
	[bflag:$0x3] =	sbarrier.arrive $0xFFFF;
	s2 =	simm.s32 @!p0 $0x1C06  }
0xc4: {  	[timem:s3], [sflag:s2] =	dma.local @!p0 [hbm:s0], s1  }
0xc5: {  	s0 =	simm.s32 @!p0 $0x6  }
0xc6: {  	_ =	swait.ge @!p0 [sflag:s0], s1  }
0xc7: {  	s1 =	ssub.s32 @!p0 $0x0, s1;
	[sflag:s0] =	ssyncset.done @!p0 $0x0  }
0xc8: {  	[sflag:s0] =	ssyncadd.s32 @!p0 s1  }
0xc9: {  	[bflag:$0x3] =	sbarrier.arrive $0xFFFF  }
0xca: {  	_ =	shalt  }

</sc_bundles>
